<compile_context>
chip_gen: v7x
topology: tpu7x:2x2x1
jax: 0.10.2.dev20260603
libtpu: 0.0.44.dev20260713+nightly
codegen_flags: <defaults>
</compile_context>

<pallas_src>
import functools

import jax
import jax.numpy as jnp
from jax import lax
from jax.experimental import pallas as pl
from jax.experimental.pallas import tpu as pltpu
from jax.experimental.pallas import tpu_sc as plsc

_VOCAB = 100000
_D = 128
_BATCH = 4096
_HIST = 50
_NW = 32
_EPW = _BATCH // _NW
_HPC = 1
_NB = 7
_NCHUNK = _HIST // _HPC


def _make_sc_gather():
    mesh = plsc.VectorSubcoreMesh(core_axis_name="c", subcore_axis_name="s")

    @functools.partial(
        pl.kernel,
        mesh=mesh,
        out_type=jax.ShapeDtypeStruct((_HIST, _BATCH, _D), jnp.float32),
        scratch_types=[
            pltpu.VMEM((_HIST, _EPW), jnp.int32),
        ] + [pltpu.VMEM((_HPC, _EPW, _D), jnp.float32)] * _NB
          + [pltpu.SemaphoreType.DMA] * (2 * _NB),
    )
    def sc_gather(idx_hbm, table_hbm, out_hbm, idx_v, *rest):
        bufs = list(rest[:_NB])
        gsem = list(rest[_NB:2 * _NB])
        ssem = list(rest[2 * _NB:3 * _NB])
        wid = lax.axis_index("s") * 2 + lax.axis_index("c")
        ebase = wid * _EPW
        pltpu.sync_copy(idx_hbm.at[:, pl.ds(ebase, _EPW)], idx_v)

        def gather(g, b):
            for j in range(_HPC):
                pltpu.async_copy(
                    table_hbm.at[idx_v.at[g * _HPC + j]],
                    bufs[b].at[j], gsem[b])

        def gwait(g, b):
            for j in range(_HPC):
                pltpu.make_async_copy(
                    table_hbm.at[idx_v.at[g * _HPC + j]],
                    bufs[b].at[j], gsem[b]).wait()

        def astore(g, b):
            pltpu.async_copy(
                bufs[b],
                out_hbm.at[pl.ds(g * _HPC, _HPC), pl.ds(ebase, _EPW)],
                ssem[b])

        def swait(g, b):
            pltpu.make_async_copy(
                bufs[b],
                out_hbm.at[pl.ds(g * _HPC, _HPC), pl.ds(ebase, _EPW)],
                ssem[b]).wait()

        for b in range(_NB - 1):
            gather(b, b)
        gwait(0, 0)
        astore(0, 0)
        gather(_NB - 1, _NB - 1)

        def body(t, carry):
            gbase = _NB * t + 1
            for k in range(_NB):
                g = gbase + k
                b = (1 + k) % _NB
                gwait(g, b)
                swait(g - 1, (b - 1) % _NB)
                gather(g + _NB - 1, (b - 1) % _NB)
                astore(g, b)
            return carry

        T = (_NCHUNK - _NB) // _NB
        lax.fori_loop(0, T, body, 0)

        waited = _NB * T
        for g in range(_NB * T + 1, _NCHUNK):
            gwait(g, g % _NB)
            nxt = g + _NB - 1
            if nxt <= _NCHUNK - 1:
                swait(g - 1, (g - 1) % _NB)
                waited = g
                gather(nxt, nxt % _NB)
            astore(g, g % _NB)
        for g in range(waited, _NCHUNK):
            swait(g, g % _NB)

    return sc_gather


_sc_gather = _make_sc_gather()


def kernel(x, table):
    xt = x.T.astype(jnp.int32)
    out = _sc_gather(xt, table)
    return jnp.transpose(out, (1, 0, 2))

# --- scband reference (transcript-rebuilt; emitter-appended) ---
"""Pipeline reference for scband-ingredient-embedding-19662360281765 (READ-ONLY COPY).

The authoritative reference and input builder live on the scoring server;
editing this copy changes nothing except your own understanding.
"""

import jax, jax.numpy as jnp
import numpy as np

VOCAB = 100000
EMBED_DIM = 128
BATCH = 4096
HIST = 50

def setup_inputs(seed: int = 0) -> dict:
    key = jax.random.key(seed)
    k_idx, k_tab = jax.random.split(key)
    x = jax.random.randint(k_idx, (BATCH, HIST), 0, VOCAB, dtype=jnp.int64) if jax.config.jax_enable_x64 else jax.random.randint(k_idx, (BATCH, HIST), 0, VOCAB, dtype=jnp.int32)
    table = jax.random.normal(k_tab, (VOCAB, EMBED_DIM), dtype=jnp.float32)
    return {"x": x, "table": table}

def reference(x, table):
    # nn.Embedding lookup; dropout is identity in eval mode
    out = jnp.take(table, x, axis=0)
    return out

if __name__ == "__main__":
    import jax
    _d = setup_inputs()
    print(jax.jit(kernel)(*tuple(_d.values())))

</pallas_src>

<mosaic_0001>
#map = affine_map<(d0, d1) -> (0, 0)>
#map1 = affine_map<(d0, d1) -> (0, 0, 0)>
module attributes {stable_mosaic.version = 14 : i64} {
  func.func @sc_gather(%arg0: i32, %arg1: i32, %arg2: memref<50x4096xi32, #tpu.memory_space<hbm>>, %arg3: memref<100000x128xf32, #tpu.memory_space<hbm>>, %arg4: memref<50x4096x128xf32, #tpu.memory_space<hbm>>, %arg5: memref<50x128xi32, #tpu.memory_space<vmem>>, %arg6: memref<1x128x128xf32, #tpu.memory_space<vmem>>, %arg7: memref<1x128x128xf32, #tpu.memory_space<vmem>>, %arg8: memref<1x128x128xf32, #tpu.memory_space<vmem>>, %arg9: memref<1x128x128xf32, #tpu.memory_space<vmem>>, %arg10: memref<1x128x128xf32, #tpu.memory_space<vmem>>, %arg11: memref<1x128x128xf32, #tpu.memory_space<vmem>>, %arg12: memref<1x128x128xf32, #tpu.memory_space<vmem>>, %arg13: memref<!tpu.dma_semaphore, #tpu.memory_space<semaphore_mem>>, %arg14: memref<!tpu.dma_semaphore, #tpu.memory_space<semaphore_mem>>, %arg15: memref<!tpu.dma_semaphore, #tpu.memory_space<semaphore_mem>>, %arg16: memref<!tpu.dma_semaphore, #tpu.memory_space<semaphore_mem>>, %arg17: memref<!tpu.dma_semaphore, #tpu.memory_space<semaphore_mem>>, %arg18: memref<!tpu.dma_semaphore, #tpu.memory_space<semaphore_mem>>, %arg19: memref<!tpu.dma_semaphore, #tpu.memory_space<semaphore_mem>>, %arg20: memref<!tpu.dma_semaphore, #tpu.memory_space<semaphore_mem>>, %arg21: memref<!tpu.dma_semaphore, #tpu.memory_space<semaphore_mem>>, %arg22: memref<!tpu.dma_semaphore, #tpu.memory_space<semaphore_mem>>, %arg23: memref<!tpu.dma_semaphore, #tpu.memory_space<semaphore_mem>>, %arg24: memref<!tpu.dma_semaphore, #tpu.memory_space<semaphore_mem>>, %arg25: memref<!tpu.dma_semaphore, #tpu.memory_space<semaphore_mem>>, %arg26: memref<!tpu.dma_semaphore, #tpu.memory_space<semaphore_mem>>) attributes {dimension_semantics = [#tpu.dimension_semantics<core_parallel>, #tpu.dimension_semantics<subcore_parallel>], iteration_bounds = array<i64: 2, 16>, scalar_prefetch = 0 : i64, scratch_operands = 22 : i64, tpu.core_type = #tpu.core_type<sc_vector_subcore>, window_params = [{transform_indices = #map}, {transform_indices = #map}, {transform_indices = #map1}]} {
    %mul3A = arith.constant 2 : i32
    %mul3A_0 = arith.muli %arg1, %mul3A : i32
    %add3A = arith.addi %mul3A_0, %arg0 : i32
    %mul3A_1 = arith.constant 128 : i32
    %mul3A_2 = arith.muli %add3A, %mul3A_1 : i32
    "tpu.region"() ({
      %run_scoped3A = tpu.sem_alloc : memref<!tpu.dma_semaphore, #tpu.memory_space<semaphore_mem>>
      %dma_start3A_294 = arith.constant 0 : i32
      %dma_start3A_295 = tpu.memref_slice %arg2[%dma_start3A_294, %mul3A_2] : memref<50x4096xi32, #tpu.memory_space<hbm>> -> memref<50x128xi32, #tpu.memory_space<hbm>>
      %dma_start3A_296 = arith.constant 0 : i32
      %dma_start3A_297 = tpu.memref_slice %arg2[%dma_start3A_296, %mul3A_2] : memref<50x4096xi32, #tpu.memory_space<hbm>> -> memref<50x128xi32, #tpu.memory_space<hbm>>
      tpu.enqueue_dma source(%dma_start3A_297 : memref<50x128xi32, #tpu.memory_space<hbm>>) target(%arg5 : memref<50x128xi32, #tpu.memory_space<vmem>>) target_semaphore(%run_scoped3A : memref<!tpu.dma_semaphore, #tpu.memory_space<semaphore_mem>>)
      %dma_wait3A_298 = arith.constant 0 : i32
      %dma_wait3A_299 = tpu.memref_slice %arg2[%dma_wait3A_298, %mul3A_2] : memref<50x4096xi32, #tpu.memory_space<hbm>> -> memref<50x128xi32, #tpu.memory_space<hbm>>
      %dma_wait3A_300 = arith.constant 0 : i32
      %dma_wait3A_301 = tpu.memref_slice %arg2[%dma_wait3A_300, %mul3A_2] : memref<50x4096xi32, #tpu.memory_space<hbm>> -> memref<50x128xi32, #tpu.memory_space<hbm>>
      tpu.wait_dma2 semaphore(%run_scoped3A : memref<!tpu.dma_semaphore, #tpu.memory_space<semaphore_mem>>) src(%dma_wait3A_301 : memref<50x128xi32, #tpu.memory_space<hbm>>) dst(%arg5 : memref<50x128xi32, #tpu.memory_space<vmem>>)
      tpu.yield
    }) : () -> ()
    %dma_start3A = arith.constant 0 : i32
    %dma_start3A_3 = arith.constant 0 : i32
    %dma_start3A_4 = arith.constant 0 : i32
    %dma_start3A_5 = arith.constant 0 : i32
    %dma_start3A_6 = tpu.memref_slice %arg6[%dma_start3A_3, %dma_start3A_4, %dma_start3A_5] : memref<1x128x128xf32, #tpu.memory_space<vmem>> -> memref<1x128x128xf32, #tpu.memory_space<vmem>>
    %dma_start3A_7 = tpu.memref_squeeze %dma_start3A_6 : memref<1x128x128xf32, #tpu.memory_space<vmem>> -> memref<128x128xf32, #tpu.memory_space<vmem>>
    %dma_start3A_8 = arith.constant 0 : i32
    %dma_start3A_9 = tpu.memref_slice %arg5[%dma_start3A, %dma_start3A_8] : memref<50x128xi32, #tpu.memory_space<vmem>> -> memref<1x128xi32, #tpu.memory_space<vmem>>
    %dma_start3A_10 = tpu.memref_squeeze %dma_start3A_9 : memref<1x128xi32, #tpu.memory_space<vmem>> -> memref<128xi32, #tpu.memory_space<vmem>>
    %dma_start3A_11 = arith.constant 0 : i32
    %dma_start3A_12 = arith.constant 0 : i32
    %dma_start3A_13 = tpu.memref_slice %arg3[%dma_start3A_11, %dma_start3A_12] : memref<100000x128xf32, #tpu.memory_space<hbm>> -> memref<100000x128xf32, #tpu.memory_space<hbm>>
    tpu.enqueue_indirect_dma source(%dma_start3A_13 : memref<100000x128xf32, #tpu.memory_space<hbm>>) target(%dma_start3A_7 : memref<128x128xf32, #tpu.memory_space<vmem>>) offsets(%dma_start3A_10 : memref<128xi32, #tpu.memory_space<vmem>>) semaphore(%arg13 : memref<!tpu.dma_semaphore, #tpu.memory_space<semaphore_mem>>)
    %dma_start3A_14 = arith.constant 1 : i32
    %dma_start3A_15 = arith.constant 0 : i32
    %dma_start3A_16 = arith.constant 0 : i32
    %dma_start3A_17 = arith.constant 0 : i32
    %dma_start3A_18 = tpu.memref_slice %arg7[%dma_start3A_15, %dma_start3A_16, %dma_start3A_17] : memref<1x128x128xf32, #tpu.memory_space<vmem>> -> memref<1x128x128xf32, #tpu.memory_space<vmem>>
    %dma_start3A_19 = tpu.memref_squeeze %dma_start3A_18 : memref<1x128x128xf32, #tpu.memory_space<vmem>> -> memref<128x128xf32, #tpu.memory_space<vmem>>
    %dma_start3A_20 = arith.constant 0 : i32
    %dma_start3A_21 = tpu.memref_slice %arg5[%dma_start3A_14, %dma_start3A_20] : memref<50x128xi32, #tpu.memory_space<vmem>> -> memref<1x128xi32, #tpu.memory_space<vmem>>
    %dma_start3A_22 = tpu.memref_squeeze %dma_start3A_21 : memref<1x128xi32, #tpu.memory_space<vmem>> -> memref<128xi32, #tpu.memory_space<vmem>>
    %dma_start3A_23 = arith.constant 0 : i32
    %dma_start3A_24 = arith.constant 0 : i32
    %dma_start3A_25 = tpu.memref_slice %arg3[%dma_start3A_23, %dma_start3A_24] : memref<100000x128xf32, #tpu.memory_space<hbm>> -> memref<100000x128xf32, #tpu.memory_space<hbm>>
    tpu.enqueue_indirect_dma source(%dma_start3A_25 : memref<100000x128xf32, #tpu.memory_space<hbm>>) target(%dma_start3A_19 : memref<128x128xf32, #tpu.memory_space<vmem>>) offsets(%dma_start3A_22 : memref<128xi32, #tpu.memory_space<vmem>>) semaphore(%arg14 : memref<!tpu.dma_semaphore, #tpu.memory_space<semaphore_mem>>)
    %dma_start3A_26 = arith.constant 2 : i32
    %dma_start3A_27 = arith.constant 0 : i32
    %dma_start3A_28 = arith.constant 0 : i32
    %dma_start3A_29 = arith.constant 0 : i32
    %dma_start3A_30 = tpu.memref_slice %arg8[%dma_start3A_27, %dma_start3A_28, %dma_start3A_29] : memref<1x128x128xf32, #tpu.memory_space<vmem>> -> memref<1x128x128xf32, #tpu.memory_space<vmem>>
    %dma_start3A_31 = tpu.memref_squeeze %dma_start3A_30 : memref<1x128x128xf32, #tpu.memory_space<vmem>> -> memref<128x128xf32, #tpu.memory_space<vmem>>
    %dma_start3A_32 = arith.constant 0 : i32
    %dma_start3A_33 = tpu.memref_slice %arg5[%dma_start3A_26, %dma_start3A_32] : memref<50x128xi32, #tpu.memory_space<vmem>> -> memref<1x128xi32, #tpu.memory_space<vmem>>
    %dma_start3A_34 = tpu.memref_squeeze %dma_start3A_33 : memref<1x128xi32, #tpu.memory_space<vmem>> -> memref<128xi32, #tpu.memory_space<vmem>>
    %dma_start3A_35 = arith.constant 0 : i32
    %dma_start3A_36 = arith.constant 0 : i32
    %dma_start3A_37 = tpu.memref_slice %arg3[%dma_start3A_35, %dma_start3A_36] : memref<100000x128xf32, #tpu.memory_space<hbm>> -> memref<100000x128xf32, #tpu.memory_space<hbm>>
    tpu.enqueue_indirect_dma source(%dma_start3A_37 : memref<100000x128xf32, #tpu.memory_space<hbm>>) target(%dma_start3A_31 : memref<128x128xf32, #tpu.memory_space<vmem>>) offsets(%dma_start3A_34 : memref<128xi32, #tpu.memory_space<vmem>>) semaphore(%arg15 : memref<!tpu.dma_semaphore, #tpu.memory_space<semaphore_mem>>)
    %dma_start3A_38 = arith.constant 3 : i32
    %dma_start3A_39 = arith.constant 0 : i32
    %dma_start3A_40 = arith.constant 0 : i32
    %dma_start3A_41 = arith.constant 0 : i32
    %dma_start3A_42 = tpu.memref_slice %arg9[%dma_start3A_39, %dma_start3A_40, %dma_start3A_41] : memref<1x128x128xf32, #tpu.memory_space<vmem>> -> memref<1x128x128xf32, #tpu.memory_space<vmem>>
    %dma_start3A_43 = tpu.memref_squeeze %dma_start3A_42 : memref<1x128x128xf32, #tpu.memory_space<vmem>> -> memref<128x128xf32, #tpu.memory_space<vmem>>
    %dma_start3A_44 = arith.constant 0 : i32
    %dma_start3A_45 = tpu.memref_slice %arg5[%dma_start3A_38, %dma_start3A_44] : memref<50x128xi32, #tpu.memory_space<vmem>> -> memref<1x128xi32, #tpu.memory_space<vmem>>
    %dma_start3A_46 = tpu.memref_squeeze %dma_start3A_45 : memref<1x128xi32, #tpu.memory_space<vmem>> -> memref<128xi32, #tpu.memory_space<vmem>>
    %dma_start3A_47 = arith.constant 0 : i32
    %dma_start3A_48 = arith.constant 0 : i32
    %dma_start3A_49 = tpu.memref_slice %arg3[%dma_start3A_47, %dma_start3A_48] : memref<100000x128xf32, #tpu.memory_space<hbm>> -> memref<100000x128xf32, #tpu.memory_space<hbm>>
    tpu.enqueue_indirect_dma source(%dma_start3A_49 : memref<100000x128xf32, #tpu.memory_space<hbm>>) target(%dma_start3A_43 : memref<128x128xf32, #tpu.memory_space<vmem>>) offsets(%dma_start3A_46 : memref<128xi32, #tpu.memory_space<vmem>>) semaphore(%arg16 : memref<!tpu.dma_semaphore, #tpu.memory_space<semaphore_mem>>)
    %dma_start3A_50 = arith.constant 4 : i32
    %dma_start3A_51 = arith.constant 0 : i32
    %dma_start3A_52 = arith.constant 0 : i32
    %dma_start3A_53 = arith.constant 0 : i32
    %dma_start3A_54 = tpu.memref_slice %arg10[%dma_start3A_51, %dma_start3A_52, %dma_start3A_53] : memref<1x128x128xf32, #tpu.memory_space<vmem>> -> memref<1x128x128xf32, #tpu.memory_space<vmem>>
    %dma_start3A_55 = tpu.memref_squeeze %dma_start3A_54 : memref<1x128x128xf32, #tpu.memory_space<vmem>> -> memref<128x128xf32, #tpu.memory_space<vmem>>
    %dma_start3A_56 = arith.constant 0 : i32
    %dma_start3A_57 = tpu.memref_slice %arg5[%dma_start3A_50, %dma_start3A_56] : memref<50x128xi32, #tpu.memory_space<vmem>> -> memref<1x128xi32, #tpu.memory_space<vmem>>
    %dma_start3A_58 = tpu.memref_squeeze %dma_start3A_57 : memref<1x128xi32, #tpu.memory_space<vmem>> -> memref<128xi32, #tpu.memory_space<vmem>>
    %dma_start3A_59 = arith.constant 0 : i32
    %dma_start3A_60 = arith.constant 0 : i32
    %dma_start3A_61 = tpu.memref_slice %arg3[%dma_start3A_59, %dma_start3A_60] : memref<100000x128xf32, #tpu.memory_space<hbm>> -> memref<100000x128xf32, #tpu.memory_space<hbm>>
    tpu.enqueue_indirect_dma source(%dma_start3A_61 : memref<100000x128xf32, #tpu.memory_space<hbm>>) target(%dma_start3A_55 : memref<128x128xf32, #tpu.memory_space<vmem>>) offsets(%dma_start3A_58 : memref<128xi32, #tpu.memory_space<vmem>>) semaphore(%arg17 : memref<!tpu.dma_semaphore, #tpu.memory_space<semaphore_mem>>)
    %dma_start3A_62 = arith.constant 5 : i32
    %dma_start3A_63 = arith.constant 0 : i32
    %dma_start3A_64 = arith.constant 0 : i32
    %dma_start3A_65 = arith.constant 0 : i32
    %dma_start3A_66 = tpu.memref_slice %arg11[%dma_start3A_63, %dma_start3A_64, %dma_start3A_65] : memref<1x128x128xf32, #tpu.memory_space<vmem>> -> memref<1x128x128xf32, #tpu.memory_space<vmem>>
    %dma_start3A_67 = tpu.memref_squeeze %dma_start3A_66 : memref<1x128x128xf32, #tpu.memory_space<vmem>> -> memref<128x128xf32, #tpu.memory_space<vmem>>
    %dma_start3A_68 = arith.constant 0 : i32
    %dma_start3A_69 = tpu.memref_slice %arg5[%dma_start3A_62, %dma_start3A_68] : memref<50x128xi32, #tpu.memory_space<vmem>> -> memref<1x128xi32, #tpu.memory_space<vmem>>
    %dma_start3A_70 = tpu.memref_squeeze %dma_start3A_69 : memref<1x128xi32, #tpu.memory_space<vmem>> -> memref<128xi32, #tpu.memory_space<vmem>>
    %dma_start3A_71 = arith.constant 0 : i32
    %dma_start3A_72 = arith.constant 0 : i32
    %dma_start3A_73 = tpu.memref_slice %arg3[%dma_start3A_71, %dma_start3A_72] : memref<100000x128xf32, #tpu.memory_space<hbm>> -> memref<100000x128xf32, #tpu.memory_space<hbm>>
    tpu.enqueue_indirect_dma source(%dma_start3A_73 : memref<100000x128xf32, #tpu.memory_space<hbm>>) target(%dma_start3A_67 : memref<128x128xf32, #tpu.memory_space<vmem>>) offsets(%dma_start3A_70 : memref<128xi32, #tpu.memory_space<vmem>>) semaphore(%arg18 : memref<!tpu.dma_semaphore, #tpu.memory_space<semaphore_mem>>)
    %dma_wait3A = arith.constant 0 : i32
    %dma_wait3A_74 = arith.constant 0 : i32
    %dma_wait3A_75 = arith.constant 0 : i32
    %dma_wait3A_76 = arith.constant 0 : i32
    %dma_wait3A_77 = tpu.memref_slice %arg6[%dma_wait3A_74, %dma_wait3A_75, %dma_wait3A_76] : memref<1x128x128xf32, #tpu.memory_space<vmem>> -> memref<1x128x128xf32, #tpu.memory_space<vmem>>
    %dma_wait3A_78 = tpu.memref_squeeze %dma_wait3A_77 : memref<1x128x128xf32, #tpu.memory_space<vmem>> -> memref<128x128xf32, #tpu.memory_space<vmem>>
    %dma_wait3A_79 = arith.constant 0 : i32
    %dma_wait3A_80 = tpu.memref_slice %arg5[%dma_wait3A, %dma_wait3A_79] : memref<50x128xi32, #tpu.memory_space<vmem>> -> memref<1x128xi32, #tpu.memory_space<vmem>>
    %dma_wait3A_81 = tpu.memref_squeeze %dma_wait3A_80 : memref<1x128xi32, #tpu.memory_space<vmem>> -> memref<128xi32, #tpu.memory_space<vmem>>
    %dma_wait3A_82 = arith.constant 0 : i32
    %dma_wait3A_83 = arith.constant 0 : i32
    %dma_wait3A_84 = tpu.memref_slice %arg3[%dma_wait3A_82, %dma_wait3A_83] : memref<100000x128xf32, #tpu.memory_space<hbm>> -> memref<100000x128xf32, #tpu.memory_space<hbm>>
    tpu.wait_indirect_dma semaphore(%arg13 : memref<!tpu.dma_semaphore, #tpu.memory_space<semaphore_mem>>) src(%dma_wait3A_84 : memref<100000x128xf32, #tpu.memory_space<hbm>>) dst(%dma_wait3A_78 : memref<128x128xf32, #tpu.memory_space<vmem>>)
    %dma_start3A_85 = arith.constant 0 : i32
    %dma_start3A_86 = arith.constant 0 : i32
    %dma_start3A_87 = tpu.memref_slice %arg4[%dma_start3A_85, %mul3A_2, %dma_start3A_86] : memref<50x4096x128xf32, #tpu.memory_space<hbm>> -> memref<1x128x128xf32, #tpu.memory_space<hbm>>
    %dma_start3A_88 = arith.constant 0 : i32
    %dma_start3A_89 = arith.constant 0 : i32
    %dma_start3A_90 = tpu.memref_slice %arg4[%dma_start3A_88, %mul3A_2, %dma_start3A_89] : memref<50x4096x128xf32, #tpu.memory_space<hbm>> -> memref<1x128x128xf32, #tpu.memory_space<hbm>>
    tpu.enqueue_dma source(%arg6 : memref<1x128x128xf32, #tpu.memory_space<vmem>>) target(%dma_start3A_90 : memref<1x128x128xf32, #tpu.memory_space<hbm>>) target_semaphore(%arg20 : memref<!tpu.dma_semaphore, #tpu.memory_space<semaphore_mem>>)
    %dma_start3A_91 = arith.constant 6 : i32
    %dma_start3A_92 = arith.constant 0 : i32
    %dma_start3A_93 = arith.constant 0 : i32
    %dma_start3A_94 = arith.constant 0 : i32
    %dma_start3A_95 = tpu.memref_slice %arg12[%dma_start3A_92, %dma_start3A_93, %dma_start3A_94] : memref<1x128x128xf32, #tpu.memory_space<vmem>> -> memref<1x128x128xf32, #tpu.memory_space<vmem>>
    %dma_start3A_96 = tpu.memref_squeeze %dma_start3A_95 : memref<1x128x128xf32, #tpu.memory_space<vmem>> -> memref<128x128xf32, #tpu.memory_space<vmem>>
    %dma_start3A_97 = arith.constant 0 : i32
    %dma_start3A_98 = tpu.memref_slice %arg5[%dma_start3A_91, %dma_start3A_97] : memref<50x128xi32, #tpu.memory_space<vmem>> -> memref<1x128xi32, #tpu.memory_space<vmem>>
    %dma_start3A_99 = tpu.memref_squeeze %dma_start3A_98 : memref<1x128xi32, #tpu.memory_space<vmem>> -> memref<128xi32, #tpu.memory_space<vmem>>
    %dma_start3A_100 = arith.constant 0 : i32
    %dma_start3A_101 = arith.constant 0 : i32
    %dma_start3A_102 = tpu.memref_slice %arg3[%dma_start3A_100, %dma_start3A_101] : memref<100000x128xf32, #tpu.memory_space<hbm>> -> memref<100000x128xf32, #tpu.memory_space<hbm>>
    tpu.enqueue_indirect_dma source(%dma_start3A_102 : memref<100000x128xf32, #tpu.memory_space<hbm>>) target(%dma_start3A_96 : memref<128x128xf32, #tpu.memory_space<vmem>>) offsets(%dma_start3A_99 : memref<128xi32, #tpu.memory_space<vmem>>) semaphore(%arg19 : memref<!tpu.dma_semaphore, #tpu.memory_space<semaphore_mem>>)
    %scan3A = arith.constant 0 : i32
    %scan3A_103 = arith.constant 0 : i32
    %scan3A_104 = arith.constant 6 : i32
    %scan3A_105 = arith.addi %scan3A_103, %scan3A_104 : i32
    %scan3A_106 = arith.constant 1 : i32
    scf.for %scan3A_294 = %scan3A_103 to %scan3A_105 step %scan3A_106  : i32 {
      %mul3A_295 = arith.constant 7 : i32
      %mul3A_296 = arith.muli %mul3A_295, %scan3A_294 : i32
      %add3A_297 = arith.constant 1 : i32
      %add3A_298 = arith.addi %mul3A_296, %add3A_297 : i32
      %add3A_299 = arith.constant 0 : i32
      %add3A_300 = arith.addi %add3A_298, %add3A_299 : i32
      %mul3A_301 = arith.constant 1 : i32
      %mul3A_302 = arith.muli %add3A_300, %mul3A_301 : i32
      %add3A_303 = arith.constant 0 : i32
      %add3A_304 = arith.addi %mul3A_302, %add3A_303 : i32
      %dma_wait3A_305 = arith.constant 0 : i32
      %dma_wait3A_306 = arith.constant 0 : i32
      %dma_wait3A_307 = arith.constant 0 : i32
      %dma_wait3A_308 = tpu.memref_slice %arg7[%dma_wait3A_305, %dma_wait3A_306, %dma_wait3A_307] : memref<1x128x128xf32, #tpu.memory_space<vmem>> -> memref<1x128x128xf32, #tpu.memory_space<vmem>>
      %dma_wait3A_309 = tpu.memref_squeeze %dma_wait3A_308 : memref<1x128x128xf32, #tpu.memory_space<vmem>> -> memref<128x128xf32, #tpu.memory_space<vmem>>
      %dma_wait3A_310 = arith.constant 0 : i32
      %dma_wait3A_311 = tpu.memref_slice %arg5[%add3A_304, %dma_wait3A_310] : memref<50x128xi32, #tpu.memory_space<vmem>> -> memref<1x128xi32, #tpu.memory_space<vmem>>
      %dma_wait3A_312 = tpu.memref_squeeze %dma_wait3A_311 : memref<1x128xi32, #tpu.memory_space<vmem>> -> memref<128xi32, #tpu.memory_space<vmem>>
      %dma_wait3A_313 = arith.constant 0 : i32
      %dma_wait3A_314 = arith.constant 0 : i32
      %dma_wait3A_315 = tpu.memref_slice %arg3[%dma_wait3A_313, %dma_wait3A_314] : memref<100000x128xf32, #tpu.memory_space<hbm>> -> memref<100000x128xf32, #tpu.memory_space<hbm>>
      tpu.wait_indirect_dma semaphore(%arg14 : memref<!tpu.dma_semaphore, #tpu.memory_space<semaphore_mem>>) src(%dma_wait3A_315 : memref<100000x128xf32, #tpu.memory_space<hbm>>) dst(%dma_wait3A_309 : memref<128x128xf32, #tpu.memory_space<vmem>>)
      %sub3A = arith.constant 1 : i32
      %sub3A_316 = arith.subi %add3A_300, %sub3A : i32
      %mul3A_317 = arith.constant 1 : i32
      %mul3A_318 = arith.muli %sub3A_316, %mul3A_317 : i32
      %dma_wait3A_319 = arith.constant 0 : i32
      %dma_wait3A_320 = tpu.memref_slice %arg4[%mul3A_318, %mul3A_2, %dma_wait3A_319] : memref<50x4096x128xf32, #tpu.memory_space<hbm>> -> memref<1x128x128xf32, #tpu.memory_space<hbm>>
      %dma_wait3A_321 = arith.constant 0 : i32
      %dma_wait3A_322 = tpu.memref_slice %arg4[%mul3A_318, %mul3A_2, %dma_wait3A_321] : memref<50x4096x128xf32, #tpu.memory_space<hbm>> -> memref<1x128x128xf32, #tpu.memory_space<hbm>>
      tpu.wait_dma2 semaphore(%arg20 : memref<!tpu.dma_semaphore, #tpu.memory_space<semaphore_mem>>) src(%arg6 : memref<1x128x128xf32, #tpu.memory_space<vmem>>) dst(%dma_wait3A_322 : memref<1x128x128xf32, #tpu.memory_space<hbm>>)
      %add3A_323 = arith.constant 7 : i32
      %add3A_324 = arith.addi %add3A_300, %add3A_323 : i32
      %sub3A_325 = arith.constant 1 : i32
      %sub3A_326 = arith.subi %add3A_324, %sub3A_325 : i32
      %mul3A_327 = arith.constant 1 : i32
      %mul3A_328 = arith.muli %sub3A_326, %mul3A_327 : i32
      %add3A_329 = arith.constant 0 : i32
      %add3A_330 = arith.addi %mul3A_328, %add3A_329 : i32
      %dma_start3A_331 = arith.constant 0 : i32
      %dma_start3A_332 = arith.constant 0 : i32
      %dma_start3A_333 = arith.constant 0 : i32
      %dma_start3A_334 = tpu.memref_slice %arg6[%dma_start3A_331, %dma_start3A_332, %dma_start3A_333] : memref<1x128x128xf32, #tpu.memory_space<vmem>> -> memref<1x128x128xf32, #tpu.memory_space<vmem>>
      %dma_start3A_335 = tpu.memref_squeeze %dma_start3A_334 : memref<1x128x128xf32, #tpu.memory_space<vmem>> -> memref<128x128xf32, #tpu.memory_space<vmem>>
      %dma_start3A_336 = arith.constant 0 : i32
      %dma_start3A_337 = tpu.memref_slice %arg5[%add3A_330, %dma_start3A_336] : memref<50x128xi32, #tpu.memory_space<vmem>> -> memref<1x128xi32, #tpu.memory_space<vmem>>
      %dma_start3A_338 = tpu.memref_squeeze %dma_start3A_337 : memref<1x128xi32, #tpu.memory_space<vmem>> -> memref<128xi32, #tpu.memory_space<vmem>>
      %dma_start3A_339 = arith.constant 0 : i32
      %dma_start3A_340 = arith.constant 0 : i32
      %dma_start3A_341 = tpu.memref_slice %arg3[%dma_start3A_339, %dma_start3A_340] : memref<100000x128xf32, #tpu.memory_space<hbm>> -> memref<100000x128xf32, #tpu.memory_space<hbm>>
      tpu.enqueue_indirect_dma source(%dma_start3A_341 : memref<100000x128xf32, #tpu.memory_space<hbm>>) target(%dma_start3A_335 : memref<128x128xf32, #tpu.memory_space<vmem>>) offsets(%dma_start3A_338 : memref<128xi32, #tpu.memory_space<vmem>>) semaphore(%arg13 : memref<!tpu.dma_semaphore, #tpu.memory_space<semaphore_mem>>)
      %mul3A_342 = arith.constant 1 : i32
      %mul3A_343 = arith.muli %add3A_300, %mul3A_342 : i32
      %dma_start3A_344 = arith.constant 0 : i32
      %dma_start3A_345 = tpu.memref_slice %arg4[%mul3A_343, %mul3A_2, %dma_start3A_344] : memref<50x4096x128xf32, #tpu.memory_space<hbm>> -> memref<1x128x128xf32, #tpu.memory_space<hbm>>
      %dma_start3A_346 = arith.constant 0 : i32
      %dma_start3A_347 = tpu.memref_slice %arg4[%mul3A_343, %mul3A_2, %dma_start3A_346] : memref<50x4096x128xf32, #tpu.memory_space<hbm>> -> memref<1x128x128xf32, #tpu.memory_space<hbm>>
      tpu.enqueue_dma source(%arg7 : memref<1x128x128xf32, #tpu.memory_space<vmem>>) target(%dma_start3A_347 : memref<1x128x128xf32, #tpu.memory_space<hbm>>) target_semaphore(%arg21 : memref<!tpu.dma_semaphore, #tpu.memory_space<semaphore_mem>>)
      %add3A_348 = arith.constant 1 : i32
      %add3A_349 = arith.addi %add3A_298, %add3A_348 : i32
      %mul3A_350 = arith.constant 1 : i32
      %mul3A_351 = arith.muli %add3A_349, %mul3A_350 : i32
      %add3A_352 = arith.constant 0 : i32
      %add3A_353 = arith.addi %mul3A_351, %add3A_352 : i32
      %dma_wait3A_354 = arith.constant 0 : i32
      %dma_wait3A_355 = arith.constant 0 : i32
      %dma_wait3A_356 = arith.constant 0 : i32
      %dma_wait3A_357 = tpu.memref_slice %arg8[%dma_wait3A_354, %dma_wait3A_355, %dma_wait3A_356] : memref<1x128x128xf32, #tpu.memory_space<vmem>> -> memref<1x128x128xf32, #tpu.memory_space<vmem>>
      %dma_wait3A_358 = tpu.memref_squeeze %dma_wait3A_357 : memref<1x128x128xf32, #tpu.memory_space<vmem>> -> memref<128x128xf32, #tpu.memory_space<vmem>>
      %dma_wait3A_359 = arith.constant 0 : i32
      %dma_wait3A_360 = tpu.memref_slice %arg5[%add3A_353, %dma_wait3A_359] : memref<50x128xi32, #tpu.memory_space<vmem>> -> memref<1x128xi32, #tpu.memory_space<vmem>>
      %dma_wait3A_361 = tpu.memref_squeeze %dma_wait3A_360 : memref<1x128xi32, #tpu.memory_space<vmem>> -> memref<128xi32, #tpu.memory_space<vmem>>
      %dma_wait3A_362 = arith.constant 0 : i32
      %dma_wait3A_363 = arith.constant 0 : i32
      %dma_wait3A_364 = tpu.memref_slice %arg3[%dma_wait3A_362, %dma_wait3A_363] : memref<100000x128xf32, #tpu.memory_space<hbm>> -> memref<100000x128xf32, #tpu.memory_space<hbm>>
      tpu.wait_indirect_dma semaphore(%arg15 : memref<!tpu.dma_semaphore, #tpu.memory_space<semaphore_mem>>) src(%dma_wait3A_364 : memref<100000x128xf32, #tpu.memory_space<hbm>>) dst(%dma_wait3A_358 : memref<128x128xf32, #tpu.memory_space<vmem>>)
      %sub3A_365 = arith.constant 1 : i32
      %sub3A_366 = arith.subi %add3A_349, %sub3A_365 : i32
      %mul3A_367 = arith.constant 1 : i32
      %mul3A_368 = arith.muli %sub3A_366, %mul3A_367 : i32
      %dma_wait3A_369 = arith.constant 0 : i32
      %dma_wait3A_370 = tpu.memref_slice %arg4[%mul3A_368, %mul3A_2, %dma_wait3A_369] : memref<50x4096x128xf32, #tpu.memory_space<hbm>> -> memref<1x128x128xf32, #tpu.memory_space<hbm>>
      %dma_wait3A_371 = arith.constant 0 : i32
      %dma_wait3A_372 = tpu.memref_slice %arg4[%mul3A_368, %mul3A_2, %dma_wait3A_371] : memref<50x4096x128xf32, #tpu.memory_space<hbm>> -> memref<1x128x128xf32, #tpu.memory_space<hbm>>
      tpu.wait_dma2 semaphore(%arg21 : memref<!tpu.dma_semaphore, #tpu.memory_space<semaphore_mem>>) src(%arg7 : memref<1x128x128xf32, #tpu.memory_space<vmem>>) dst(%dma_wait3A_372 : memref<1x128x128xf32, #tpu.memory_space<hbm>>)
      %add3A_373 = arith.constant 7 : i32
      %add3A_374 = arith.addi %add3A_349, %add3A_373 : i32
      %sub3A_375 = arith.constant 1 : i32
      %sub3A_376 = arith.subi %add3A_374, %sub3A_375 : i32
      %mul3A_377 = arith.constant 1 : i32
      %mul3A_378 = arith.muli %sub3A_376, %mul3A_377 : i32
      %add3A_379 = arith.constant 0 : i32
      %add3A_380 = arith.addi %mul3A_378, %add3A_379 : i32
      %dma_start3A_381 = arith.constant 0 : i32
      %dma_start3A_382 = arith.constant 0 : i32
      %dma_start3A_383 = arith.constant 0 : i32
      %dma_start3A_384 = tpu.memref_slice %arg7[%dma_start3A_381, %dma_start3A_382, %dma_start3A_383] : memref<1x128x128xf32, #tpu.memory_space<vmem>> -> memref<1x128x128xf32, #tpu.memory_space<vmem>>
      %dma_start3A_385 = tpu.memref_squeeze %dma_start3A_384 : memref<1x128x128xf32, #tpu.memory_space<vmem>> -> memref<128x128xf32, #tpu.memory_space<vmem>>
      %dma_start3A_386 = arith.constant 0 : i32
      %dma_start3A_387 = tpu.memref_slice %arg5[%add3A_380, %dma_start3A_386] : memref<50x128xi32, #tpu.memory_space<vmem>> -> memref<1x128xi32, #tpu.memory_space<vmem>>
      %dma_start3A_388 = tpu.memref_squeeze %dma_start3A_387 : memref<1x128xi32, #tpu.memory_space<vmem>> -> memref<128xi32, #tpu.memory_space<vmem>>
      %dma_start3A_389 = arith.constant 0 : i32
      %dma_start3A_390 = arith.constant 0 : i32
      %dma_start3A_391 = tpu.memref_slice %arg3[%dma_start3A_389, %dma_start3A_390] : memref<100000x128xf32, #tpu.memory_space<hbm>> -> memref<100000x128xf32, #tpu.memory_space<hbm>>
      tpu.enqueue_indirect_dma source(%dma_start3A_391 : memref<100000x128xf32, #tpu.memory_space<hbm>>) target(%dma_start3A_385 : memref<128x128xf32, #tpu.memory_space<vmem>>) offsets(%dma_start3A_388 : memref<128xi32, #tpu.memory_space<vmem>>) semaphore(%arg14 : memref<!tpu.dma_semaphore, #tpu.memory_space<semaphore_mem>>)
      %mul3A_392 = arith.constant 1 : i32
      %mul3A_393 = arith.muli %add3A_349, %mul3A_392 : i32
      %dma_start3A_394 = arith.constant 0 : i32
      %dma_start3A_395 = tpu.memref_slice %arg4[%mul3A_393, %mul3A_2, %dma_start3A_394] : memref<50x4096x128xf32, #tpu.memory_space<hbm>> -> memref<1x128x128xf32, #tpu.memory_space<hbm>>
      %dma_start3A_396 = arith.constant 0 : i32
      %dma_start3A_397 = tpu.memref_slice %arg4[%mul3A_393, %mul3A_2, %dma_start3A_396] : memref<50x4096x128xf32, #tpu.memory_space<hbm>> -> memref<1x128x128xf32, #tpu.memory_space<hbm>>
      tpu.enqueue_dma source(%arg8 : memref<1x128x128xf32, #tpu.memory_space<vmem>>) target(%dma_start3A_397 : memref<1x128x128xf32, #tpu.memory_space<hbm>>) target_semaphore(%arg22 : memref<!tpu.dma_semaphore, #tpu.memory_space<semaphore_mem>>)
      %add3A_398 = arith.constant 2 : i32
      %add3A_399 = arith.addi %add3A_298, %add3A_398 : i32
      %mul3A_400 = arith.constant 1 : i32
      %mul3A_401 = arith.muli %add3A_399, %mul3A_400 : i32
      %add3A_402 = arith.constant 0 : i32
      %add3A_403 = arith.addi %mul3A_401, %add3A_402 : i32
      %dma_wait3A_404 = arith.constant 0 : i32
      %dma_wait3A_405 = arith.constant 0 : i32
      %dma_wait3A_406 = arith.constant 0 : i32
      %dma_wait3A_407 = tpu.memref_slice %arg9[%dma_wait3A_404, %dma_wait3A_405, %dma_wait3A_406] : memref<1x128x128xf32, #tpu.memory_space<vmem>> -> memref<1x128x128xf32, #tpu.memory_space<vmem>>
      %dma_wait3A_408 = tpu.memref_squeeze %dma_wait3A_407 : memref<1x128x128xf32, #tpu.memory_space<vmem>> -> memref<128x128xf32, #tpu.memory_space<vmem>>
      %dma_wait3A_409 = arith.constant 0 : i32
      %dma_wait3A_410 = tpu.memref_slice %arg5[%add3A_403, %dma_wait3A_409] : memref<50x128xi32, #tpu.memory_space<vmem>> -> memref<1x128xi32, #tpu.memory_space<vmem>>
      %dma_wait3A_411 = tpu.memref_squeeze %dma_wait3A_410 : memref<1x128xi32, #tpu.memory_space<vmem>> -> memref<128xi32, #tpu.memory_space<vmem>>
      %dma_wait3A_412 = arith.constant 0 : i32
      %dma_wait3A_413 = arith.constant 0 : i32
      %dma_wait3A_414 = tpu.memref_slice %arg3[%dma_wait3A_412, %dma_wait3A_413] : memref<100000x128xf32, #tpu.memory_space<hbm>> -> memref<100000x128xf32, #tpu.memory_space<hbm>>
      tpu.wait_indirect_dma semaphore(%arg16 : memref<!tpu.dma_semaphore, #tpu.memory_space<semaphore_mem>>) src(%dma_wait3A_414 : memref<100000x128xf32, #tpu.memory_space<hbm>>) dst(%dma_wait3A_408 : memref<128x128xf32, #tpu.memory_space<vmem>>)
      %sub3A_415 = arith.constant 1 : i32
      %sub3A_416 = arith.subi %add3A_399, %sub3A_415 : i32
      %mul3A_417 = arith.constant 1 : i32
      %mul3A_418 = arith.muli %sub3A_416, %mul3A_417 : i32
      %dma_wait3A_419 = arith.constant 0 : i32
      %dma_wait3A_420 = tpu.memref_slice %arg4[%mul3A_418, %mul3A_2, %dma_wait3A_419] : memref<50x4096x128xf32, #tpu.memory_space<hbm>> -> memref<1x128x128xf32, #tpu.memory_space<hbm>>
      %dma_wait3A_421 = arith.constant 0 : i32
      %dma_wait3A_422 = tpu.memref_slice %arg4[%mul3A_418, %mul3A_2, %dma_wait3A_421] : memref<50x4096x128xf32, #tpu.memory_space<hbm>> -> memref<1x128x128xf32, #tpu.memory_space<hbm>>
      tpu.wait_dma2 semaphore(%arg22 : memref<!tpu.dma_semaphore, #tpu.memory_space<semaphore_mem>>) src(%arg8 : memref<1x128x128xf32, #tpu.memory_space<vmem>>) dst(%dma_wait3A_422 : memref<1x128x128xf32, #tpu.memory_space<hbm>>)
      %add3A_423 = arith.constant 7 : i32
      %add3A_424 = arith.addi %add3A_399, %add3A_423 : i32
      %sub3A_425 = arith.constant 1 : i32
      %sub3A_426 = arith.subi %add3A_424, %sub3A_425 : i32
      %mul3A_427 = arith.constant 1 : i32
      %mul3A_428 = arith.muli %sub3A_426, %mul3A_427 : i32
      %add3A_429 = arith.constant 0 : i32
      %add3A_430 = arith.addi %mul3A_428, %add3A_429 : i32
      %dma_start3A_431 = arith.constant 0 : i32
      %dma_start3A_432 = arith.constant 0 : i32
      %dma_start3A_433 = arith.constant 0 : i32
      %dma_start3A_434 = tpu.memref_slice %arg8[%dma_start3A_431, %dma_start3A_432, %dma_start3A_433] : memref<1x128x128xf32, #tpu.memory_space<vmem>> -> memref<1x128x128xf32, #tpu.memory_space<vmem>>
      %dma_start3A_435 = tpu.memref_squeeze %dma_start3A_434 : memref<1x128x128xf32, #tpu.memory_space<vmem>> -> memref<128x128xf32, #tpu.memory_space<vmem>>
      %dma_start3A_436 = arith.constant 0 : i32
      %dma_start3A_437 = tpu.memref_slice %arg5[%add3A_430, %dma_start3A_436] : memref<50x128xi32, #tpu.memory_space<vmem>> -> memref<1x128xi32, #tpu.memory_space<vmem>>
      %dma_start3A_438 = tpu.memref_squeeze %dma_start3A_437 : memref<1x128xi32, #tpu.memory_space<vmem>> -> memref<128xi32, #tpu.memory_space<vmem>>
      %dma_start3A_439 = arith.constant 0 : i32
      %dma_start3A_440 = arith.constant 0 : i32
      %dma_start3A_441 = tpu.memref_slice %arg3[%dma_start3A_439, %dma_start3A_440] : memref<100000x128xf32, #tpu.memory_space<hbm>> -> memref<100000x128xf32, #tpu.memory_space<hbm>>
      tpu.enqueue_indirect_dma source(%dma_start3A_441 : memref<100000x128xf32, #tpu.memory_space<hbm>>) target(%dma_start3A_435 : memref<128x128xf32, #tpu.memory_space<vmem>>) offsets(%dma_start3A_438 : memref<128xi32, #tpu.memory_space<vmem>>) semaphore(%arg15 : memref<!tpu.dma_semaphore, #tpu.memory_space<semaphore_mem>>)
      %mul3A_442 = arith.constant 1 : i32
      %mul3A_443 = arith.muli %add3A_399, %mul3A_442 : i32
      %dma_start3A_444 = arith.constant 0 : i32
      %dma_start3A_445 = tpu.memref_slice %arg4[%mul3A_443, %mul3A_2, %dma_start3A_444] : memref<50x4096x128xf32, #tpu.memory_space<hbm>> -> memref<1x128x128xf32, #tpu.memory_space<hbm>>
      %dma_start3A_446 = arith.constant 0 : i32
      %dma_start3A_447 = tpu.memref_slice %arg4[%mul3A_443, %mul3A_2, %dma_start3A_446] : memref<50x4096x128xf32, #tpu.memory_space<hbm>> -> memref<1x128x128xf32, #tpu.memory_space<hbm>>
      tpu.enqueue_dma source(%arg9 : memref<1x128x128xf32, #tpu.memory_space<vmem>>) target(%dma_start3A_447 : memref<1x128x128xf32, #tpu.memory_space<hbm>>) target_semaphore(%arg23 : memref<!tpu.dma_semaphore, #tpu.memory_space<semaphore_mem>>)
      %add3A_448 = arith.constant 3 : i32
      %add3A_449 = arith.addi %add3A_298, %add3A_448 : i32
      %mul3A_450 = arith.constant 1 : i32
      %mul3A_451 = arith.muli %add3A_449, %mul3A_450 : i32
      %add3A_452 = arith.constant 0 : i32
      %add3A_453 = arith.addi %mul3A_451, %add3A_452 : i32
      %dma_wait3A_454 = arith.constant 0 : i32
      %dma_wait3A_455 = arith.constant 0 : i32
      %dma_wait3A_456 = arith.constant 0 : i32
      %dma_wait3A_457 = tpu.memref_slice %arg10[%dma_wait3A_454, %dma_wait3A_455, %dma_wait3A_456] : memref<1x128x128xf32, #tpu.memory_space<vmem>> -> memref<1x128x128xf32, #tpu.memory_space<vmem>>
      %dma_wait3A_458 = tpu.memref_squeeze %dma_wait3A_457 : memref<1x128x128xf32, #tpu.memory_space<vmem>> -> memref<128x128xf32, #tpu.memory_space<vmem>>
      %dma_wait3A_459 = arith.constant 0 : i32
      %dma_wait3A_460 = tpu.memref_slice %arg5[%add3A_453, %dma_wait3A_459] : memref<50x128xi32, #tpu.memory_space<vmem>> -> memref<1x128xi32, #tpu.memory_space<vmem>>
      %dma_wait3A_461 = tpu.memref_squeeze %dma_wait3A_460 : memref<1x128xi32, #tpu.memory_space<vmem>> -> memref<128xi32, #tpu.memory_space<vmem>>
      %dma_wait3A_462 = arith.constant 0 : i32
      %dma_wait3A_463 = arith.constant 0 : i32
      %dma_wait3A_464 = tpu.memref_slice %arg3[%dma_wait3A_462, %dma_wait3A_463] : memref<100000x128xf32, #tpu.memory_space<hbm>> -> memref<100000x128xf32, #tpu.memory_space<hbm>>
      tpu.wait_indirect_dma semaphore(%arg17 : memref<!tpu.dma_semaphore, #tpu.memory_space<semaphore_mem>>) src(%dma_wait3A_464 : memref<100000x128xf32, #tpu.memory_space<hbm>>) dst(%dma_wait3A_458 : memref<128x128xf32, #tpu.memory_space<vmem>>)
      %sub3A_465 = arith.constant 1 : i32
      %sub3A_466 = arith.subi %add3A_449, %sub3A_465 : i32
      %mul3A_467 = arith.constant 1 : i32
      %mul3A_468 = arith.muli %sub3A_466, %mul3A_467 : i32
      %dma_wait3A_469 = arith.constant 0 : i32
      %dma_wait3A_470 = tpu.memref_slice %arg4[%mul3A_468, %mul3A_2, %dma_wait3A_469] : memref<50x4096x128xf32, #tpu.memory_space<hbm>> -> memref<1x128x128xf32, #tpu.memory_space<hbm>>
      %dma_wait3A_471 = arith.constant 0 : i32
      %dma_wait3A_472 = tpu.memref_slice %arg4[%mul3A_468, %mul3A_2, %dma_wait3A_471] : memref<50x4096x128xf32, #tpu.memory_space<hbm>> -> memref<1x128x128xf32, #tpu.memory_space<hbm>>
      tpu.wait_dma2 semaphore(%arg23 : memref<!tpu.dma_semaphore, #tpu.memory_space<semaphore_mem>>) src(%arg9 : memref<1x128x128xf32, #tpu.memory_space<vmem>>) dst(%dma_wait3A_472 : memref<1x128x128xf32, #tpu.memory_space<hbm>>)
      %add3A_473 = arith.constant 7 : i32
      %add3A_474 = arith.addi %add3A_449, %add3A_473 : i32
      %sub3A_475 = arith.constant 1 : i32
      %sub3A_476 = arith.subi %add3A_474, %sub3A_475 : i32
      %mul3A_477 = arith.constant 1 : i32
      %mul3A_478 = arith.muli %sub3A_476, %mul3A_477 : i32
      %add3A_479 = arith.constant 0 : i32
      %add3A_480 = arith.addi %mul3A_478, %add3A_479 : i32
      %dma_start3A_481 = arith.constant 0 : i32
      %dma_start3A_482 = arith.constant 0 : i32
      %dma_start3A_483 = arith.constant 0 : i32
      %dma_start3A_484 = tpu.memref_slice %arg9[%dma_start3A_481, %dma_start3A_482, %dma_start3A_483] : memref<1x128x128xf32, #tpu.memory_space<vmem>> -> memref<1x128x128xf32, #tpu.memory_space<vmem>>
      %dma_start3A_485 = tpu.memref_squeeze %dma_start3A_484 : memref<1x128x128xf32, #tpu.memory_space<vmem>> -> memref<128x128xf32, #tpu.memory_space<vmem>>
      %dma_start3A_486 = arith.constant 0 : i32
      %dma_start3A_487 = tpu.memref_slice %arg5[%add3A_480, %dma_start3A_486] : memref<50x128xi32, #tpu.memory_space<vmem>> -> memref<1x128xi32, #tpu.memory_space<vmem>>
      %dma_start3A_488 = tpu.memref_squeeze %dma_start3A_487 : memref<1x128xi32, #tpu.memory_space<vmem>> -> memref<128xi32, #tpu.memory_space<vmem>>
      %dma_start3A_489 = arith.constant 0 : i32
      %dma_start3A_490 = arith.constant 0 : i32
      %dma_start3A_491 = tpu.memref_slice %arg3[%dma_start3A_489, %dma_start3A_490] : memref<100000x128xf32, #tpu.memory_space<hbm>> -> memref<100000x128xf32, #tpu.memory_space<hbm>>
      tpu.enqueue_indirect_dma source(%dma_start3A_491 : memref<100000x128xf32, #tpu.memory_space<hbm>>) target(%dma_start3A_485 : memref<128x128xf32, #tpu.memory_space<vmem>>) offsets(%dma_start3A_488 : memref<128xi32, #tpu.memory_space<vmem>>) semaphore(%arg16 : memref<!tpu.dma_semaphore, #tpu.memory_space<semaphore_mem>>)
      %mul3A_492 = arith.constant 1 : i32
      %mul3A_493 = arith.muli %add3A_449, %mul3A_492 : i32
      %dma_start3A_494 = arith.constant 0 : i32
      %dma_start3A_495 = tpu.memref_slice %arg4[%mul3A_493, %mul3A_2, %dma_start3A_494] : memref<50x4096x128xf32, #tpu.memory_space<hbm>> -> memref<1x128x128xf32, #tpu.memory_space<hbm>>
      %dma_start3A_496 = arith.constant 0 : i32
      %dma_start3A_497 = tpu.memref_slice %arg4[%mul3A_493, %mul3A_2, %dma_start3A_496] : memref<50x4096x128xf32, #tpu.memory_space<hbm>> -> memref<1x128x128xf32, #tpu.memory_space<hbm>>
      tpu.enqueue_dma source(%arg10 : memref<1x128x128xf32, #tpu.memory_space<vmem>>) target(%dma_start3A_497 : memref<1x128x128xf32, #tpu.memory_space<hbm>>) target_semaphore(%arg24 : memref<!tpu.dma_semaphore, #tpu.memory_space<semaphore_mem>>)
      %add3A_498 = arith.constant 4 : i32
      %add3A_499 = arith.addi %add3A_298, %add3A_498 : i32
      %mul3A_500 = arith.constant 1 : i32
      %mul3A_501 = arith.muli %add3A_499, %mul3A_500 : i32
      %add3A_502 = arith.constant 0 : i32
      %add3A_503 = arith.addi %mul3A_501, %add3A_502 : i32
      %dma_wait3A_504 = arith.constant 0 : i32
      %dma_wait3A_505 = arith.constant 0 : i32
      %dma_wait3A_506 = arith.constant 0 : i32
      %dma_wait3A_507 = tpu.memref_slice %arg11[%dma_wait3A_504, %dma_wait3A_505, %dma_wait3A_506] : memref<1x128x128xf32, #tpu.memory_space<vmem>> -> memref<1x128x128xf32, #tpu.memory_space<vmem>>
      %dma_wait3A_508 = tpu.memref_squeeze %dma_wait3A_507 : memref<1x128x128xf32, #tpu.memory_space<vmem>> -> memref<128x128xf32, #tpu.memory_space<vmem>>
      %dma_wait3A_509 = arith.constant 0 : i32
      %dma_wait3A_510 = tpu.memref_slice %arg5[%add3A_503, %dma_wait3A_509] : memref<50x128xi32, #tpu.memory_space<vmem>> -> memref<1x128xi32, #tpu.memory_space<vmem>>
      %dma_wait3A_511 = tpu.memref_squeeze %dma_wait3A_510 : memref<1x128xi32, #tpu.memory_space<vmem>> -> memref<128xi32, #tpu.memory_space<vmem>>
      %dma_wait3A_512 = arith.constant 0 : i32
      %dma_wait3A_513 = arith.constant 0 : i32
      %dma_wait3A_514 = tpu.memref_slice %arg3[%dma_wait3A_512, %dma_wait3A_513] : memref<100000x128xf32, #tpu.memory_space<hbm>> -> memref<100000x128xf32, #tpu.memory_space<hbm>>
      tpu.wait_indirect_dma semaphore(%arg18 : memref<!tpu.dma_semaphore, #tpu.memory_space<semaphore_mem>>) src(%dma_wait3A_514 : memref<100000x128xf32, #tpu.memory_space<hbm>>) dst(%dma_wait3A_508 : memref<128x128xf32, #tpu.memory_space<vmem>>)
      %sub3A_515 = arith.constant 1 : i32
      %sub3A_516 = arith.subi %add3A_499, %sub3A_515 : i32
      %mul3A_517 = arith.constant 1 : i32
      %mul3A_518 = arith.muli %sub3A_516, %mul3A_517 : i32
      %dma_wait3A_519 = arith.constant 0 : i32
      %dma_wait3A_520 = tpu.memref_slice %arg4[%mul3A_518, %mul3A_2, %dma_wait3A_519] : memref<50x4096x128xf32, #tpu.memory_space<hbm>> -> memref<1x128x128xf32, #tpu.memory_space<hbm>>
      %dma_wait3A_521 = arith.constant 0 : i32
      %dma_wait3A_522 = tpu.memref_slice %arg4[%mul3A_518, %mul3A_2, %dma_wait3A_521] : memref<50x4096x128xf32, #tpu.memory_space<hbm>> -> memref<1x128x128xf32, #tpu.memory_space<hbm>>
      tpu.wait_dma2 semaphore(%arg24 : memref<!tpu.dma_semaphore, #tpu.memory_space<semaphore_mem>>) src(%arg10 : memref<1x128x128xf32, #tpu.memory_space<vmem>>) dst(%dma_wait3A_522 : memref<1x128x128xf32, #tpu.memory_space<hbm>>)
      %add3A_523 = arith.constant 7 : i32
      %add3A_524 = arith.addi %add3A_499, %add3A_523 : i32
      %sub3A_525 = arith.constant 1 : i32
      %sub3A_526 = arith.subi %add3A_524, %sub3A_525 : i32
      %mul3A_527 = arith.constant 1 : i32
      %mul3A_528 = arith.muli %sub3A_526, %mul3A_527 : i32
      %add3A_529 = arith.constant 0 : i32
      %add3A_530 = arith.addi %mul3A_528, %add3A_529 : i32
      %dma_start3A_531 = arith.constant 0 : i32
      %dma_start3A_532 = arith.constant 0 : i32
      %dma_start3A_533 = arith.constant 0 : i32
      %dma_start3A_534 = tpu.memref_slice %arg10[%dma_start3A_531, %dma_start3A_532, %dma_start3A_533] : memref<1x128x128xf32, #tpu.memory_space<vmem>> -> memref<1x128x128xf32, #tpu.memory_space<vmem>>
      %dma_start3A_535 = tpu.memref_squeeze %dma_start3A_534 : memref<1x128x128xf32, #tpu.memory_space<vmem>> -> memref<128x128xf32, #tpu.memory_space<vmem>>
      %dma_start3A_536 = arith.constant 0 : i32
      %dma_start3A_537 = tpu.memref_slice %arg5[%add3A_530, %dma_start3A_536] : memref<50x128xi32, #tpu.memory_space<vmem>> -> memref<1x128xi32, #tpu.memory_space<vmem>>
      %dma_start3A_538 = tpu.memref_squeeze %dma_start3A_537 : memref<1x128xi32, #tpu.memory_space<vmem>> -> memref<128xi32, #tpu.memory_space<vmem>>
      %dma_start3A_539 = arith.constant 0 : i32
      %dma_start3A_540 = arith.constant 0 : i32
      %dma_start3A_541 = tpu.memref_slice %arg3[%dma_start3A_539, %dma_start3A_540] : memref<100000x128xf32, #tpu.memory_space<hbm>> -> memref<100000x128xf32, #tpu.memory_space<hbm>>
      tpu.enqueue_indirect_dma source(%dma_start3A_541 : memref<100000x128xf32, #tpu.memory_space<hbm>>) target(%dma_start3A_535 : memref<128x128xf32, #tpu.memory_space<vmem>>) offsets(%dma_start3A_538 : memref<128xi32, #tpu.memory_space<vmem>>) semaphore(%arg17 : memref<!tpu.dma_semaphore, #tpu.memory_space<semaphore_mem>>)
      %mul3A_542 = arith.constant 1 : i32
      %mul3A_543 = arith.muli %add3A_499, %mul3A_542 : i32
      %dma_start3A_544 = arith.constant 0 : i32
      %dma_start3A_545 = tpu.memref_slice %arg4[%mul3A_543, %mul3A_2, %dma_start3A_544] : memref<50x4096x128xf32, #tpu.memory_space<hbm>> -> memref<1x128x128xf32, #tpu.memory_space<hbm>>
      %dma_start3A_546 = arith.constant 0 : i32
      %dma_start3A_547 = tpu.memref_slice %arg4[%mul3A_543, %mul3A_2, %dma_start3A_546] : memref<50x4096x128xf32, #tpu.memory_space<hbm>> -> memref<1x128x128xf32, #tpu.memory_space<hbm>>
      tpu.enqueue_dma source(%arg11 : memref<1x128x128xf32, #tpu.memory_space<vmem>>) target(%dma_start3A_547 : memref<1x128x128xf32, #tpu.memory_space<hbm>>) target_semaphore(%arg25 : memref<!tpu.dma_semaphore, #tpu.memory_space<semaphore_mem>>)
      %add3A_548 = arith.constant 5 : i32
      %add3A_549 = arith.addi %add3A_298, %add3A_548 : i32
      %mul3A_550 = arith.constant 1 : i32
      %mul3A_551 = arith.muli %add3A_549, %mul3A_550 : i32
      %add3A_552 = arith.constant 0 : i32
      %add3A_553 = arith.addi %mul3A_551, %add3A_552 : i32
      %dma_wait3A_554 = arith.constant 0 : i32
      %dma_wait3A_555 = arith.constant 0 : i32
      %dma_wait3A_556 = arith.constant 0 : i32
      %dma_wait3A_557 = tpu.memref_slice %arg12[%dma_wait3A_554, %dma_wait3A_555, %dma_wait3A_556] : memref<1x128x128xf32, #tpu.memory_space<vmem>> -> memref<1x128x128xf32, #tpu.memory_space<vmem>>
      %dma_wait3A_558 = tpu.memref_squeeze %dma_wait3A_557 : memref<1x128x128xf32, #tpu.memory_space<vmem>> -> memref<128x128xf32, #tpu.memory_space<vmem>>
      %dma_wait3A_559 = arith.constant 0 : i32
      %dma_wait3A_560 = tpu.memref_slice %arg5[%add3A_553, %dma_wait3A_559] : memref<50x128xi32, #tpu.memory_space<vmem>> -> memref<1x128xi32, #tpu.memory_space<vmem>>
      %dma_wait3A_561 = tpu.memref_squeeze %dma_wait3A_560 : memref<1x128xi32, #tpu.memory_space<vmem>> -> memref<128xi32, #tpu.memory_space<vmem>>
      %dma_wait3A_562 = arith.constant 0 : i32
      %dma_wait3A_563 = arith.constant 0 : i32
      %dma_wait3A_564 = tpu.memref_slice %arg3[%dma_wait3A_562, %dma_wait3A_563] : memref<100000x128xf32, #tpu.memory_space<hbm>> -> memref<100000x128xf32, #tpu.memory_space<hbm>>
      tpu.wait_indirect_dma semaphore(%arg19 : memref<!tpu.dma_semaphore, #tpu.memory_space<semaphore_mem>>) src(%dma_wait3A_564 : memref<100000x128xf32, #tpu.memory_space<hbm>>) dst(%dma_wait3A_558 : memref<128x128xf32, #tpu.memory_space<vmem>>)
      %sub3A_565 = arith.constant 1 : i32
      %sub3A_566 = arith.subi %add3A_549, %sub3A_565 : i32
      %mul3A_567 = arith.constant 1 : i32
      %mul3A_568 = arith.muli %sub3A_566, %mul3A_567 : i32
      %dma_wait3A_569 = arith.constant 0 : i32
      %dma_wait3A_570 = tpu.memref_slice %arg4[%mul3A_568, %mul3A_2, %dma_wait3A_569] : memref<50x4096x128xf32, #tpu.memory_space<hbm>> -> memref<1x128x128xf32, #tpu.memory_space<hbm>>
      %dma_wait3A_571 = arith.constant 0 : i32
      %dma_wait3A_572 = tpu.memref_slice %arg4[%mul3A_568, %mul3A_2, %dma_wait3A_571] : memref<50x4096x128xf32, #tpu.memory_space<hbm>> -> memref<1x128x128xf32, #tpu.memory_space<hbm>>
      tpu.wait_dma2 semaphore(%arg25 : memref<!tpu.dma_semaphore, #tpu.memory_space<semaphore_mem>>) src(%arg11 : memref<1x128x128xf32, #tpu.memory_space<vmem>>) dst(%dma_wait3A_572 : memref<1x128x128xf32, #tpu.memory_space<hbm>>)
      %add3A_573 = arith.constant 7 : i32
      %add3A_574 = arith.addi %add3A_549, %add3A_573 : i32
      %sub3A_575 = arith.constant 1 : i32
      %sub3A_576 = arith.subi %add3A_574, %sub3A_575 : i32
      %mul3A_577 = arith.constant 1 : i32
      %mul3A_578 = arith.muli %sub3A_576, %mul3A_577 : i32
      %add3A_579 = arith.constant 0 : i32
      %add3A_580 = arith.addi %mul3A_578, %add3A_579 : i32
      %dma_start3A_581 = arith.constant 0 : i32
      %dma_start3A_582 = arith.constant 0 : i32
      %dma_start3A_583 = arith.constant 0 : i32
      %dma_start3A_584 = tpu.memref_slice %arg11[%dma_start3A_581, %dma_start3A_582, %dma_start3A_583] : memref<1x128x128xf32, #tpu.memory_space<vmem>> -> memref<1x128x128xf32, #tpu.memory_space<vmem>>
      %dma_start3A_585 = tpu.memref_squeeze %dma_start3A_584 : memref<1x128x128xf32, #tpu.memory_space<vmem>> -> memref<128x128xf32, #tpu.memory_space<vmem>>
      %dma_start3A_586 = arith.constant 0 : i32
      %dma_start3A_587 = tpu.memref_slice %arg5[%add3A_580, %dma_start3A_586] : memref<50x128xi32, #tpu.memory_space<vmem>> -> memref<1x128xi32, #tpu.memory_space<vmem>>
      %dma_start3A_588 = tpu.memref_squeeze %dma_start3A_587 : memref<1x128xi32, #tpu.memory_space<vmem>> -> memref<128xi32, #tpu.memory_space<vmem>>
      %dma_start3A_589 = arith.constant 0 : i32
      %dma_start3A_590 = arith.constant 0 : i32
      %dma_start3A_591 = tpu.memref_slice %arg3[%dma_start3A_589, %dma_start3A_590] : memref<100000x128xf32, #tpu.memory_space<hbm>> -> memref<100000x128xf32, #tpu.memory_space<hbm>>
      tpu.enqueue_indirect_dma source(%dma_start3A_591 : memref<100000x128xf32, #tpu.memory_space<hbm>>) target(%dma_start3A_585 : memref<128x128xf32, #tpu.memory_space<vmem>>) offsets(%dma_start3A_588 : memref<128xi32, #tpu.memory_space<vmem>>) semaphore(%arg18 : memref<!tpu.dma_semaphore, #tpu.memory_space<semaphore_mem>>)
      %mul3A_592 = arith.constant 1 : i32
      %mul3A_593 = arith.muli %add3A_549, %mul3A_592 : i32
      %dma_start3A_594 = arith.constant 0 : i32
      %dma_start3A_595 = tpu.memref_slice %arg4[%mul3A_593, %mul3A_2, %dma_start3A_594] : memref<50x4096x128xf32, #tpu.memory_space<hbm>> -> memref<1x128x128xf32, #tpu.memory_space<hbm>>
      %dma_start3A_596 = arith.constant 0 : i32
      %dma_start3A_597 = tpu.memref_slice %arg4[%mul3A_593, %mul3A_2, %dma_start3A_596] : memref<50x4096x128xf32, #tpu.memory_space<hbm>> -> memref<1x128x128xf32, #tpu.memory_space<hbm>>
      tpu.enqueue_dma source(%arg12 : memref<1x128x128xf32, #tpu.memory_space<vmem>>) target(%dma_start3A_597 : memref<1x128x128xf32, #tpu.memory_space<hbm>>) target_semaphore(%arg26 : memref<!tpu.dma_semaphore, #tpu.memory_space<semaphore_mem>>)
      %add3A_598 = arith.constant 6 : i32
      %add3A_599 = arith.addi %add3A_298, %add3A_598 : i32
      %mul3A_600 = arith.constant 1 : i32
      %mul3A_601 = arith.muli %add3A_599, %mul3A_600 : i32
      %add3A_602 = arith.constant 0 : i32
      %add3A_603 = arith.addi %mul3A_601, %add3A_602 : i32
      %dma_wait3A_604 = arith.constant 0 : i32
      %dma_wait3A_605 = arith.constant 0 : i32
      %dma_wait3A_606 = arith.constant 0 : i32
      %dma_wait3A_607 = tpu.memref_slice %arg6[%dma_wait3A_604, %dma_wait3A_605, %dma_wait3A_606] : memref<1x128x128xf32, #tpu.memory_space<vmem>> -> memref<1x128x128xf32, #tpu.memory_space<vmem>>
      %dma_wait3A_608 = tpu.memref_squeeze %dma_wait3A_607 : memref<1x128x128xf32, #tpu.memory_space<vmem>> -> memref<128x128xf32, #tpu.memory_space<vmem>>
      %dma_wait3A_609 = arith.constant 0 : i32
      %dma_wait3A_610 = tpu.memref_slice %arg5[%add3A_603, %dma_wait3A_609] : memref<50x128xi32, #tpu.memory_space<vmem>> -> memref<1x128xi32, #tpu.memory_space<vmem>>
      %dma_wait3A_611 = tpu.memref_squeeze %dma_wait3A_610 : memref<1x128xi32, #tpu.memory_space<vmem>> -> memref<128xi32, #tpu.memory_space<vmem>>
      %dma_wait3A_612 = arith.constant 0 : i32
      %dma_wait3A_613 = arith.constant 0 : i32
      %dma_wait3A_614 = tpu.memref_slice %arg3[%dma_wait3A_612, %dma_wait3A_613] : memref<100000x128xf32, #tpu.memory_space<hbm>> -> memref<100000x128xf32, #tpu.memory_space<hbm>>
      tpu.wait_indirect_dma semaphore(%arg13 : memref<!tpu.dma_semaphore, #tpu.memory_space<semaphore_mem>>) src(%dma_wait3A_614 : memref<100000x128xf32, #tpu.memory_space<hbm>>) dst(%dma_wait3A_608 : memref<128x128xf32, #tpu.memory_space<vmem>>)
      %sub3A_615 = arith.constant 1 : i32
      %sub3A_616 = arith.subi %add3A_599, %sub3A_615 : i32
      %mul3A_617 = arith.constant 1 : i32
      %mul3A_618 = arith.muli %sub3A_616, %mul3A_617 : i32
      %dma_wait3A_619 = arith.constant 0 : i32
      %dma_wait3A_620 = tpu.memref_slice %arg4[%mul3A_618, %mul3A_2, %dma_wait3A_619] : memref<50x4096x128xf32, #tpu.memory_space<hbm>> -> memref<1x128x128xf32, #tpu.memory_space<hbm>>
      %dma_wait3A_621 = arith.constant 0 : i32
      %dma_wait3A_622 = tpu.memref_slice %arg4[%mul3A_618, %mul3A_2, %dma_wait3A_621] : memref<50x4096x128xf32, #tpu.memory_space<hbm>> -> memref<1x128x128xf32, #tpu.memory_space<hbm>>
      tpu.wait_dma2 semaphore(%arg26 : memref<!tpu.dma_semaphore, #tpu.memory_space<semaphore_mem>>) src(%arg12 : memref<1x128x128xf32, #tpu.memory_space<vmem>>) dst(%dma_wait3A_622 : memref<1x128x128xf32, #tpu.memory_space<hbm>>)
      %add3A_623 = arith.constant 7 : i32
      %add3A_624 = arith.addi %add3A_599, %add3A_623 : i32
      %sub3A_625 = arith.constant 1 : i32
      %sub3A_626 = arith.subi %add3A_624, %sub3A_625 : i32
      %mul3A_627 = arith.constant 1 : i32
      %mul3A_628 = arith.muli %sub3A_626, %mul3A_627 : i32
      %add3A_629 = arith.constant 0 : i32
      %add3A_630 = arith.addi %mul3A_628, %add3A_629 : i32
      %dma_start3A_631 = arith.constant 0 : i32
      %dma_start3A_632 = arith.constant 0 : i32
      %dma_start3A_633 = arith.constant 0 : i32
      %dma_start3A_634 = tpu.memref_slice %arg12[%dma_start3A_631, %dma_start3A_632, %dma_start3A_633] : memref<1x128x128xf32, #tpu.memory_space<vmem>> -> memref<1x128x128xf32, #tpu.memory_space<vmem>>
      %dma_start3A_635 = tpu.memref_squeeze %dma_start3A_634 : memref<1x128x128xf32, #tpu.memory_space<vmem>> -> memref<128x128xf32, #tpu.memory_space<vmem>>
      %dma_start3A_636 = arith.constant 0 : i32
      %dma_start3A_637 = tpu.memref_slice %arg5[%add3A_630, %dma_start3A_636] : memref<50x128xi32, #tpu.memory_space<vmem>> -> memref<1x128xi32, #tpu.memory_space<vmem>>
      %dma_start3A_638 = tpu.memref_squeeze %dma_start3A_637 : memref<1x128xi32, #tpu.memory_space<vmem>> -> memref<128xi32, #tpu.memory_space<vmem>>
      %dma_start3A_639 = arith.constant 0 : i32
      %dma_start3A_640 = arith.constant 0 : i32
      %dma_start3A_641 = tpu.memref_slice %arg3[%dma_start3A_639, %dma_start3A_640] : memref<100000x128xf32, #tpu.memory_space<hbm>> -> memref<100000x128xf32, #tpu.memory_space<hbm>>
      tpu.enqueue_indirect_dma source(%dma_start3A_641 : memref<100000x128xf32, #tpu.memory_space<hbm>>) target(%dma_start3A_635 : memref<128x128xf32, #tpu.memory_space<vmem>>) offsets(%dma_start3A_638 : memref<128xi32, #tpu.memory_space<vmem>>) semaphore(%arg19 : memref<!tpu.dma_semaphore, #tpu.memory_space<semaphore_mem>>)
      %mul3A_642 = arith.constant 1 : i32
      %mul3A_643 = arith.muli %add3A_599, %mul3A_642 : i32
      %dma_start3A_644 = arith.constant 0 : i32
      %dma_start3A_645 = tpu.memref_slice %arg4[%mul3A_643, %mul3A_2, %dma_start3A_644] : memref<50x4096x128xf32, #tpu.memory_space<hbm>> -> memref<1x128x128xf32, #tpu.memory_space<hbm>>
      %dma_start3A_646 = arith.constant 0 : i32
      %dma_start3A_647 = tpu.memref_slice %arg4[%mul3A_643, %mul3A_2, %dma_start3A_646] : memref<50x4096x128xf32, #tpu.memory_space<hbm>> -> memref<1x128x128xf32, #tpu.memory_space<hbm>>
      tpu.enqueue_dma source(%arg6 : memref<1x128x128xf32, #tpu.memory_space<vmem>>) target(%dma_start3A_647 : memref<1x128x128xf32, #tpu.memory_space<hbm>>) target_semaphore(%arg20 : memref<!tpu.dma_semaphore, #tpu.memory_space<semaphore_mem>>)
    }
    %scan3A_107 = arith.constant 6 : i32
    %dma_wait3A_108 = arith.constant 43 : i32
    %dma_wait3A_109 = arith.constant 0 : i32
    %dma_wait3A_110 = arith.constant 0 : i32
    %dma_wait3A_111 = arith.constant 0 : i32
    %dma_wait3A_112 = tpu.memref_slice %arg7[%dma_wait3A_109, %dma_wait3A_110, %dma_wait3A_111] : memref<1x128x128xf32, #tpu.memory_space<vmem>> -> memref<1x128x128xf32, #tpu.memory_space<vmem>>
    %dma_wait3A_113 = tpu.memref_squeeze %dma_wait3A_112 : memref<1x128x128xf32, #tpu.memory_space<vmem>> -> memref<128x128xf32, #tpu.memory_space<vmem>>
    %dma_wait3A_114 = arith.constant 0 : i32
    %dma_wait3A_115 = tpu.memref_slice %arg5[%dma_wait3A_108, %dma_wait3A_114] : memref<50x128xi32, #tpu.memory_space<vmem>> -> memref<1x128xi32, #tpu.memory_space<vmem>>
    %dma_wait3A_116 = tpu.memref_squeeze %dma_wait3A_115 : memref<1x128xi32, #tpu.memory_space<vmem>> -> memref<128xi32, #tpu.memory_space<vmem>>
    %dma_wait3A_117 = arith.constant 0 : i32
    %dma_wait3A_118 = arith.constant 0 : i32
    %dma_wait3A_119 = tpu.memref_slice %arg3[%dma_wait3A_117, %dma_wait3A_118] : memref<100000x128xf32, #tpu.memory_space<hbm>> -> memref<100000x128xf32, #tpu.memory_space<hbm>>
    tpu.wait_indirect_dma semaphore(%arg14 : memref<!tpu.dma_semaphore, #tpu.memory_space<semaphore_mem>>) src(%dma_wait3A_119 : memref<100000x128xf32, #tpu.memory_space<hbm>>) dst(%dma_wait3A_113 : memref<128x128xf32, #tpu.memory_space<vmem>>)
    %dma_wait3A_120 = arith.constant 42 : i32
    %dma_wait3A_121 = arith.constant 0 : i32
    %dma_wait3A_122 = tpu.memref_slice %arg4[%dma_wait3A_120, %mul3A_2, %dma_wait3A_121] : memref<50x4096x128xf32, #tpu.memory_space<hbm>> -> memref<1x128x128xf32, #tpu.memory_space<hbm>>
    %dma_wait3A_123 = arith.constant 42 : i32
    %dma_wait3A_124 = arith.constant 0 : i32
    %dma_wait3A_125 = tpu.memref_slice %arg4[%dma_wait3A_123, %mul3A_2, %dma_wait3A_124] : memref<50x4096x128xf32, #tpu.memory_space<hbm>> -> memref<1x128x128xf32, #tpu.memory_space<hbm>>
    tpu.wait_dma2 semaphore(%arg20 : memref<!tpu.dma_semaphore, #tpu.memory_space<semaphore_mem>>) src(%arg6 : memref<1x128x128xf32, #tpu.memory_space<vmem>>) dst(%dma_wait3A_125 : memref<1x128x128xf32, #tpu.memory_space<hbm>>)
    %dma_start3A_126 = arith.constant 49 : i32
    %dma_start3A_127 = arith.constant 0 : i32
    %dma_start3A_128 = arith.constant 0 : i32
    %dma_start3A_129 = arith.constant 0 : i32
    %dma_start3A_130 = tpu.memref_slice %arg6[%dma_start3A_127, %dma_start3A_128, %dma_start3A_129] : memref<1x128x128xf32, #tpu.memory_space<vmem>> -> memref<1x128x128xf32, #tpu.memory_space<vmem>>
    %dma_start3A_131 = tpu.memref_squeeze %dma_start3A_130 : memref<1x128x128xf32, #tpu.memory_space<vmem>> -> memref<128x128xf32, #tpu.memory_space<vmem>>
    %dma_start3A_132 = arith.constant 0 : i32
    %dma_start3A_133 = tpu.memref_slice %arg5[%dma_start3A_126, %dma_start3A_132] : memref<50x128xi32, #tpu.memory_space<vmem>> -> memref<1x128xi32, #tpu.memory_space<vmem>>
    %dma_start3A_134 = tpu.memref_squeeze %dma_start3A_133 : memref<1x128xi32, #tpu.memory_space<vmem>> -> memref<128xi32, #tpu.memory_space<vmem>>
    %dma_start3A_135 = arith.constant 0 : i32
    %dma_start3A_136 = arith.constant 0 : i32
    %dma_start3A_137 = tpu.memref_slice %arg3[%dma_start3A_135, %dma_start3A_136] : memref<100000x128xf32, #tpu.memory_space<hbm>> -> memref<100000x128xf32, #tpu.memory_space<hbm>>
    tpu.enqueue_indirect_dma source(%dma_start3A_137 : memref<100000x128xf32, #tpu.memory_space<hbm>>) target(%dma_start3A_131 : memref<128x128xf32, #tpu.memory_space<vmem>>) offsets(%dma_start3A_134 : memref<128xi32, #tpu.memory_space<vmem>>) semaphore(%arg13 : memref<!tpu.dma_semaphore, #tpu.memory_space<semaphore_mem>>)
    %dma_start3A_138 = arith.constant 43 : i32
    %dma_start3A_139 = arith.constant 0 : i32
    %dma_start3A_140 = tpu.memref_slice %arg4[%dma_start3A_138, %mul3A_2, %dma_start3A_139] : memref<50x4096x128xf32, #tpu.memory_space<hbm>> -> memref<1x128x128xf32, #tpu.memory_space<hbm>>
    %dma_start3A_141 = arith.constant 43 : i32
    %dma_start3A_142 = arith.constant 0 : i32
    %dma_start3A_143 = tpu.memref_slice %arg4[%dma_start3A_141, %mul3A_2, %dma_start3A_142] : memref<50x4096x128xf32, #tpu.memory_space<hbm>> -> memref<1x128x128xf32, #tpu.memory_space<hbm>>
    tpu.enqueue_dma source(%arg7 : memref<1x128x128xf32, #tpu.memory_space<vmem>>) target(%dma_start3A_143 : memref<1x128x128xf32, #tpu.memory_space<hbm>>) target_semaphore(%arg21 : memref<!tpu.dma_semaphore, #tpu.memory_space<semaphore_mem>>)
    %dma_wait3A_144 = arith.constant 44 : i32
    %dma_wait3A_145 = arith.constant 0 : i32
    %dma_wait3A_146 = arith.constant 0 : i32
    %dma_wait3A_147 = arith.constant 0 : i32
    %dma_wait3A_148 = tpu.memref_slice %arg8[%dma_wait3A_145, %dma_wait3A_146, %dma_wait3A_147] : memref<1x128x128xf32, #tpu.memory_space<vmem>> -> memref<1x128x128xf32, #tpu.memory_space<vmem>>
    %dma_wait3A_149 = tpu.memref_squeeze %dma_wait3A_148 : memref<1x128x128xf32, #tpu.memory_space<vmem>> -> memref<128x128xf32, #tpu.memory_space<vmem>>
    %dma_wait3A_150 = arith.constant 0 : i32
    %dma_wait3A_151 = tpu.memref_slice %arg5[%dma_wait3A_144, %dma_wait3A_150] : memref<50x128xi32, #tpu.memory_space<vmem>> -> memref<1x128xi32, #tpu.memory_space<vmem>>
    %dma_wait3A_152 = tpu.memref_squeeze %dma_wait3A_151 : memref<1x128xi32, #tpu.memory_space<vmem>> -> memref<128xi32, #tpu.memory_space<vmem>>
    %dma_wait3A_153 = arith.constant 0 : i32
    %dma_wait3A_154 = arith.constant 0 : i32
    %dma_wait3A_155 = tpu.memref_slice %arg3[%dma_wait3A_153, %dma_wait3A_154] : memref<100000x128xf32, #tpu.memory_space<hbm>> -> memref<100000x128xf32, #tpu.memory_space<hbm>>
    tpu.wait_indirect_dma semaphore(%arg15 : memref<!tpu.dma_semaphore, #tpu.memory_space<semaphore_mem>>) src(%dma_wait3A_155 : memref<100000x128xf32, #tpu.memory_space<hbm>>) dst(%dma_wait3A_149 : memref<128x128xf32, #tpu.memory_space<vmem>>)
    %dma_start3A_156 = arith.constant 44 : i32
    %dma_start3A_157 = arith.constant 0 : i32
    %dma_start3A_158 = tpu.memref_slice %arg4[%dma_start3A_156, %mul3A_2, %dma_start3A_157] : memref<50x4096x128xf32, #tpu.memory_space<hbm>> -> memref<1x128x128xf32, #tpu.memory_space<hbm>>
    %dma_start3A_159 = arith.constant 44 : i32
    %dma_start3A_160 = arith.constant 0 : i32
    %dma_start3A_161 = tpu.memref_slice %arg4[%dma_start3A_159, %mul3A_2, %dma_start3A_160] : memref<50x4096x128xf32, #tpu.memory_space<hbm>> -> memref<1x128x128xf32, #tpu.memory_space<hbm>>
    tpu.enqueue_dma source(%arg8 : memref<1x128x128xf32, #tpu.memory_space<vmem>>) target(%dma_start3A_161 : memref<1x128x128xf32, #tpu.memory_space<hbm>>) target_semaphore(%arg22 : memref<!tpu.dma_semaphore, #tpu.memory_space<semaphore_mem>>)
    %dma_wait3A_162 = arith.constant 45 : i32
    %dma_wait3A_163 = arith.constant 0 : i32
    %dma_wait3A_164 = arith.constant 0 : i32
    %dma_wait3A_165 = arith.constant 0 : i32
    %dma_wait3A_166 = tpu.memref_slice %arg9[%dma_wait3A_163, %dma_wait3A_164, %dma_wait3A_165] : memref<1x128x128xf32, #tpu.memory_space<vmem>> -> memref<1x128x128xf32, #tpu.memory_space<vmem>>
    %dma_wait3A_167 = tpu.memref_squeeze %dma_wait3A_166 : memref<1x128x128xf32, #tpu.memory_space<vmem>> -> memref<128x128xf32, #tpu.memory_space<vmem>>
    %dma_wait3A_168 = arith.constant 0 : i32
    %dma_wait3A_169 = tpu.memref_slice %arg5[%dma_wait3A_162, %dma_wait3A_168] : memref<50x128xi32, #tpu.memory_space<vmem>> -> memref<1x128xi32, #tpu.memory_space<vmem>>
    %dma_wait3A_170 = tpu.memref_squeeze %dma_wait3A_169 : memref<1x128xi32, #tpu.memory_space<vmem>> -> memref<128xi32, #tpu.memory_space<vmem>>
    %dma_wait3A_171 = arith.constant 0 : i32
    %dma_wait3A_172 = arith.constant 0 : i32
    %dma_wait3A_173 = tpu.memref_slice %arg3[%dma_wait3A_171, %dma_wait3A_172] : memref<100000x128xf32, #tpu.memory_space<hbm>> -> memref<100000x128xf32, #tpu.memory_space<hbm>>
    tpu.wait_indirect_dma semaphore(%arg16 : memref<!tpu.dma_semaphore, #tpu.memory_space<semaphore_mem>>) src(%dma_wait3A_173 : memref<100000x128xf32, #tpu.memory_space<hbm>>) dst(%dma_wait3A_167 : memref<128x128xf32, #tpu.memory_space<vmem>>)
    %dma_start3A_174 = arith.constant 45 : i32
    %dma_start3A_175 = arith.constant 0 : i32
    %dma_start3A_176 = tpu.memref_slice %arg4[%dma_start3A_174, %mul3A_2, %dma_start3A_175] : memref<50x4096x128xf32, #tpu.memory_space<hbm>> -> memref<1x128x128xf32, #tpu.memory_space<hbm>>
    %dma_start3A_177 = arith.constant 45 : i32
    %dma_start3A_178 = arith.constant 0 : i32
    %dma_start3A_179 = tpu.memref_slice %arg4[%dma_start3A_177, %mul3A_2, %dma_start3A_178] : memref<50x4096x128xf32, #tpu.memory_space<hbm>> -> memref<1x128x128xf32, #tpu.memory_space<hbm>>
    tpu.enqueue_dma source(%arg9 : memref<1x128x128xf32, #tpu.memory_space<vmem>>) target(%dma_start3A_179 : memref<1x128x128xf32, #tpu.memory_space<hbm>>) target_semaphore(%arg23 : memref<!tpu.dma_semaphore, #tpu.memory_space<semaphore_mem>>)
    %dma_wait3A_180 = arith.constant 46 : i32
    %dma_wait3A_181 = arith.constant 0 : i32
    %dma_wait3A_182 = arith.constant 0 : i32
    %dma_wait3A_183 = arith.constant 0 : i32
    %dma_wait3A_184 = tpu.memref_slice %arg10[%dma_wait3A_181, %dma_wait3A_182, %dma_wait3A_183] : memref<1x128x128xf32, #tpu.memory_space<vmem>> -> memref<1x128x128xf32, #tpu.memory_space<vmem>>
    %dma_wait3A_185 = tpu.memref_squeeze %dma_wait3A_184 : memref<1x128x128xf32, #tpu.memory_space<vmem>> -> memref<128x128xf32, #tpu.memory_space<vmem>>
    %dma_wait3A_186 = arith.constant 0 : i32
    %dma_wait3A_187 = tpu.memref_slice %arg5[%dma_wait3A_180, %dma_wait3A_186] : memref<50x128xi32, #tpu.memory_space<vmem>> -> memref<1x128xi32, #tpu.memory_space<vmem>>
    %dma_wait3A_188 = tpu.memref_squeeze %dma_wait3A_187 : memref<1x128xi32, #tpu.memory_space<vmem>> -> memref<128xi32, #tpu.memory_space<vmem>>
    %dma_wait3A_189 = arith.constant 0 : i32
    %dma_wait3A_190 = arith.constant 0 : i32
    %dma_wait3A_191 = tpu.memref_slice %arg3[%dma_wait3A_189, %dma_wait3A_190] : memref<100000x128xf32, #tpu.memory_space<hbm>> -> memref<100000x128xf32, #tpu.memory_space<hbm>>
    tpu.wait_indirect_dma semaphore(%arg17 : memref<!tpu.dma_semaphore, #tpu.memory_space<semaphore_mem>>) src(%dma_wait3A_191 : memref<100000x128xf32, #tpu.memory_space<hbm>>) dst(%dma_wait3A_185 : memref<128x128xf32, #tpu.memory_space<vmem>>)
    %dma_start3A_192 = arith.constant 46 : i32
    %dma_start3A_193 = arith.constant 0 : i32
    %dma_start3A_194 = tpu.memref_slice %arg4[%dma_start3A_192, %mul3A_2, %dma_start3A_193] : memref<50x4096x128xf32, #tpu.memory_space<hbm>> -> memref<1x128x128xf32, #tpu.memory_space<hbm>>
    %dma_start3A_195 = arith.constant 46 : i32
    %dma_start3A_196 = arith.constant 0 : i32
    %dma_start3A_197 = tpu.memref_slice %arg4[%dma_start3A_195, %mul3A_2, %dma_start3A_196] : memref<50x4096x128xf32, #tpu.memory_space<hbm>> -> memref<1x128x128xf32, #tpu.memory_space<hbm>>
    tpu.enqueue_dma source(%arg10 : memref<1x128x128xf32, #tpu.memory_space<vmem>>) target(%dma_start3A_197 : memref<1x128x128xf32, #tpu.memory_space<hbm>>) target_semaphore(%arg24 : memref<!tpu.dma_semaphore, #tpu.memory_space<semaphore_mem>>)
    %dma_wait3A_198 = arith.constant 47 : i32
    %dma_wait3A_199 = arith.constant 0 : i32
    %dma_wait3A_200 = arith.constant 0 : i32
    %dma_wait3A_201 = arith.constant 0 : i32
    %dma_wait3A_202 = tpu.memref_slice %arg11[%dma_wait3A_199, %dma_wait3A_200, %dma_wait3A_201] : memref<1x128x128xf32, #tpu.memory_space<vmem>> -> memref<1x128x128xf32, #tpu.memory_space<vmem>>
    %dma_wait3A_203 = tpu.memref_squeeze %dma_wait3A_202 : memref<1x128x128xf32, #tpu.memory_space<vmem>> -> memref<128x128xf32, #tpu.memory_space<vmem>>
    %dma_wait3A_204 = arith.constant 0 : i32
    %dma_wait3A_205 = tpu.memref_slice %arg5[%dma_wait3A_198, %dma_wait3A_204] : memref<50x128xi32, #tpu.memory_space<vmem>> -> memref<1x128xi32, #tpu.memory_space<vmem>>
    %dma_wait3A_206 = tpu.memref_squeeze %dma_wait3A_205 : memref<1x128xi32, #tpu.memory_space<vmem>> -> memref<128xi32, #tpu.memory_space<vmem>>
    %dma_wait3A_207 = arith.constant 0 : i32
    %dma_wait3A_208 = arith.constant 0 : i32
    %dma_wait3A_209 = tpu.memref_slice %arg3[%dma_wait3A_207, %dma_wait3A_208] : memref<100000x128xf32, #tpu.memory_space<hbm>> -> memref<100000x128xf32, #tpu.memory_space<hbm>>
    tpu.wait_indirect_dma semaphore(%arg18 : memref<!tpu.dma_semaphore, #tpu.memory_space<semaphore_mem>>) src(%dma_wait3A_209 : memref<100000x128xf32, #tpu.memory_space<hbm>>) dst(%dma_wait3A_203 : memref<128x128xf32, #tpu.memory_space<vmem>>)
    %dma_start3A_210 = arith.constant 47 : i32
    %dma_start3A_211 = arith.constant 0 : i32
    %dma_start3A_212 = tpu.memref_slice %arg4[%dma_start3A_210, %mul3A_2, %dma_start3A_211] : memref<50x4096x128xf32, #tpu.memory_space<hbm>> -> memref<1x128x128xf32, #tpu.memory_space<hbm>>
    %dma_start3A_213 = arith.constant 47 : i32
    %dma_start3A_214 = arith.constant 0 : i32
    %dma_start3A_215 = tpu.memref_slice %arg4[%dma_start3A_213, %mul3A_2, %dma_start3A_214] : memref<50x4096x128xf32, #tpu.memory_space<hbm>> -> memref<1x128x128xf32, #tpu.memory_space<hbm>>
    tpu.enqueue_dma source(%arg11 : memref<1x128x128xf32, #tpu.memory_space<vmem>>) target(%dma_start3A_215 : memref<1x128x128xf32, #tpu.memory_space<hbm>>) target_semaphore(%arg25 : memref<!tpu.dma_semaphore, #tpu.memory_space<semaphore_mem>>)
    %dma_wait3A_216 = arith.constant 48 : i32
    %dma_wait3A_217 = arith.constant 0 : i32
    %dma_wait3A_218 = arith.constant 0 : i32
    %dma_wait3A_219 = arith.constant 0 : i32
    %dma_wait3A_220 = tpu.memref_slice %arg12[%dma_wait3A_217, %dma_wait3A_218, %dma_wait3A_219] : memref<1x128x128xf32, #tpu.memory_space<vmem>> -> memref<1x128x128xf32, #tpu.memory_space<vmem>>
    %dma_wait3A_221 = tpu.memref_squeeze %dma_wait3A_220 : memref<1x128x128xf32, #tpu.memory_space<vmem>> -> memref<128x128xf32, #tpu.memory_space<vmem>>
    %dma_wait3A_222 = arith.constant 0 : i32
    %dma_wait3A_223 = tpu.memref_slice %arg5[%dma_wait3A_216, %dma_wait3A_222] : memref<50x128xi32, #tpu.memory_space<vmem>> -> memref<1x128xi32, #tpu.memory_space<vmem>>
    %dma_wait3A_224 = tpu.memref_squeeze %dma_wait3A_223 : memref<1x128xi32, #tpu.memory_space<vmem>> -> memref<128xi32, #tpu.memory_space<vmem>>
    %dma_wait3A_225 = arith.constant 0 : i32
    %dma_wait3A_226 = arith.constant 0 : i32
    %dma_wait3A_227 = tpu.memref_slice %arg3[%dma_wait3A_225, %dma_wait3A_226] : memref<100000x128xf32, #tpu.memory_space<hbm>> -> memref<100000x128xf32, #tpu.memory_space<hbm>>
    tpu.wait_indirect_dma semaphore(%arg19 : memref<!tpu.dma_semaphore, #tpu.memory_space<semaphore_mem>>) src(%dma_wait3A_227 : memref<100000x128xf32, #tpu.memory_space<hbm>>) dst(%dma_wait3A_221 : memref<128x128xf32, #tpu.memory_space<vmem>>)
    %dma_start3A_228 = arith.constant 48 : i32
    %dma_start3A_229 = arith.constant 0 : i32
    %dma_start3A_230 = tpu.memref_slice %arg4[%dma_start3A_228, %mul3A_2, %dma_start3A_229] : memref<50x4096x128xf32, #tpu.memory_space<hbm>> -> memref<1x128x128xf32, #tpu.memory_space<hbm>>
    %dma_start3A_231 = arith.constant 48 : i32
    %dma_start3A_232 = arith.constant 0 : i32
    %dma_start3A_233 = tpu.memref_slice %arg4[%dma_start3A_231, %mul3A_2, %dma_start3A_232] : memref<50x4096x128xf32, #tpu.memory_space<hbm>> -> memref<1x128x128xf32, #tpu.memory_space<hbm>>
    tpu.enqueue_dma source(%arg12 : memref<1x128x128xf32, #tpu.memory_space<vmem>>) target(%dma_start3A_233 : memref<1x128x128xf32, #tpu.memory_space<hbm>>) target_semaphore(%arg26 : memref<!tpu.dma_semaphore, #tpu.memory_space<semaphore_mem>>)
    %dma_wait3A_234 = arith.constant 49 : i32
    %dma_wait3A_235 = arith.constant 0 : i32
    %dma_wait3A_236 = arith.constant 0 : i32
    %dma_wait3A_237 = arith.constant 0 : i32
    %dma_wait3A_238 = tpu.memref_slice %arg6[%dma_wait3A_235, %dma_wait3A_236, %dma_wait3A_237] : memref<1x128x128xf32, #tpu.memory_space<vmem>> -> memref<1x128x128xf32, #tpu.memory_space<vmem>>
    %dma_wait3A_239 = tpu.memref_squeeze %dma_wait3A_238 : memref<1x128x128xf32, #tpu.memory_space<vmem>> -> memref<128x128xf32, #tpu.memory_space<vmem>>
    %dma_wait3A_240 = arith.constant 0 : i32
    %dma_wait3A_241 = tpu.memref_slice %arg5[%dma_wait3A_234, %dma_wait3A_240] : memref<50x128xi32, #tpu.memory_space<vmem>> -> memref<1x128xi32, #tpu.memory_space<vmem>>
    %dma_wait3A_242 = tpu.memref_squeeze %dma_wait3A_241 : memref<1x128xi32, #tpu.memory_space<vmem>> -> memref<128xi32, #tpu.memory_space<vmem>>
    %dma_wait3A_243 = arith.constant 0 : i32
    %dma_wait3A_244 = arith.constant 0 : i32
    %dma_wait3A_245 = tpu.memref_slice %arg3[%dma_wait3A_243, %dma_wait3A_244] : memref<100000x128xf32, #tpu.memory_space<hbm>> -> memref<100000x128xf32, #tpu.memory_space<hbm>>
    tpu.wait_indirect_dma semaphore(%arg13 : memref<!tpu.dma_semaphore, #tpu.memory_space<semaphore_mem>>) src(%dma_wait3A_245 : memref<100000x128xf32, #tpu.memory_space<hbm>>) dst(%dma_wait3A_239 : memref<128x128xf32, #tpu.memory_space<vmem>>)
    %dma_start3A_246 = arith.constant 49 : i32
    %dma_start3A_247 = arith.constant 0 : i32
    %dma_start3A_248 = tpu.memref_slice %arg4[%dma_start3A_246, %mul3A_2, %dma_start3A_247] : memref<50x4096x128xf32, #tpu.memory_space<hbm>> -> memref<1x128x128xf32, #tpu.memory_space<hbm>>
    %dma_start3A_249 = arith.constant 49 : i32
    %dma_start3A_250 = arith.constant 0 : i32
    %dma_start3A_251 = tpu.memref_slice %arg4[%dma_start3A_249, %mul3A_2, %dma_start3A_250] : memref<50x4096x128xf32, #tpu.memory_space<hbm>> -> memref<1x128x128xf32, #tpu.memory_space<hbm>>
    tpu.enqueue_dma source(%arg6 : memref<1x128x128xf32, #tpu.memory_space<vmem>>) target(%dma_start3A_251 : memref<1x128x128xf32, #tpu.memory_space<hbm>>) target_semaphore(%arg20 : memref<!tpu.dma_semaphore, #tpu.memory_space<semaphore_mem>>)
    %dma_wait3A_252 = arith.constant 43 : i32
    %dma_wait3A_253 = arith.constant 0 : i32
    %dma_wait3A_254 = tpu.memref_slice %arg4[%dma_wait3A_252, %mul3A_2, %dma_wait3A_253] : memref<50x4096x128xf32, #tpu.memory_space<hbm>> -> memref<1x128x128xf32, #tpu.memory_space<hbm>>
    %dma_wait3A_255 = arith.constant 43 : i32
    %dma_wait3A_256 = arith.constant 0 : i32
    %dma_wait3A_257 = tpu.memref_slice %arg4[%dma_wait3A_255, %mul3A_2, %dma_wait3A_256] : memref<50x4096x128xf32, #tpu.memory_space<hbm>> -> memref<1x128x128xf32, #tpu.memory_space<hbm>>
    tpu.wait_dma2 semaphore(%arg21 : memref<!tpu.dma_semaphore, #tpu.memory_space<semaphore_mem>>) src(%arg7 : memref<1x128x128xf32, #tpu.memory_space<vmem>>) dst(%dma_wait3A_257 : memref<1x128x128xf32, #tpu.memory_space<hbm>>)
    %dma_wait3A_258 = arith.constant 44 : i32
    %dma_wait3A_259 = arith.constant 0 : i32
    %dma_wait3A_260 = tpu.memref_slice %arg4[%dma_wait3A_258, %mul3A_2, %dma_wait3A_259] : memref<50x4096x128xf32, #tpu.memory_space<hbm>> -> memref<1x128x128xf32, #tpu.memory_space<hbm>>
    %dma_wait3A_261 = arith.constant 44 : i32
    %dma_wait3A_262 = arith.constant 0 : i32
    %dma_wait3A_263 = tpu.memref_slice %arg4[%dma_wait3A_261, %mul3A_2, %dma_wait3A_262] : memref<50x4096x128xf32, #tpu.memory_space<hbm>> -> memref<1x128x128xf32, #tpu.memory_space<hbm>>
    tpu.wait_dma2 semaphore(%arg22 : memref<!tpu.dma_semaphore, #tpu.memory_space<semaphore_mem>>) src(%arg8 : memref<1x128x128xf32, #tpu.memory_space<vmem>>) dst(%dma_wait3A_263 : memref<1x128x128xf32, #tpu.memory_space<hbm>>)
    %dma_wait3A_264 = arith.constant 45 : i32
    %dma_wait3A_265 = arith.constant 0 : i32
    %dma_wait3A_266 = tpu.memref_slice %arg4[%dma_wait3A_264, %mul3A_2, %dma_wait3A_265] : memref<50x4096x128xf32, #tpu.memory_space<hbm>> -> memref<1x128x128xf32, #tpu.memory_space<hbm>>
    %dma_wait3A_267 = arith.constant 45 : i32
    %dma_wait3A_268 = arith.constant 0 : i32
    %dma_wait3A_269 = tpu.memref_slice %arg4[%dma_wait3A_267, %mul3A_2, %dma_wait3A_268] : memref<50x4096x128xf32, #tpu.memory_space<hbm>> -> memref<1x128x128xf32, #tpu.memory_space<hbm>>
    tpu.wait_dma2 semaphore(%arg23 : memref<!tpu.dma_semaphore, #tpu.memory_space<semaphore_mem>>) src(%arg9 : memref<1x128x128xf32, #tpu.memory_space<vmem>>) dst(%dma_wait3A_269 : memref<1x128x128xf32, #tpu.memory_space<hbm>>)
    %dma_wait3A_270 = arith.constant 46 : i32
    %dma_wait3A_271 = arith.constant 0 : i32
    %dma_wait3A_272 = tpu.memref_slice %arg4[%dma_wait3A_270, %mul3A_2, %dma_wait3A_271] : memref<50x4096x128xf32, #tpu.memory_space<hbm>> -> memref<1x128x128xf32, #tpu.memory_space<hbm>>
    %dma_wait3A_273 = arith.constant 46 : i32
    %dma_wait3A_274 = arith.constant 0 : i32
    %dma_wait3A_275 = tpu.memref_slice %arg4[%dma_wait3A_273, %mul3A_2, %dma_wait3A_274] : memref<50x4096x128xf32, #tpu.memory_space<hbm>> -> memref<1x128x128xf32, #tpu.memory_space<hbm>>
    tpu.wait_dma2 semaphore(%arg24 : memref<!tpu.dma_semaphore, #tpu.memory_space<semaphore_mem>>) src(%arg10 : memref<1x128x128xf32, #tpu.memory_space<vmem>>) dst(%dma_wait3A_275 : memref<1x128x128xf32, #tpu.memory_space<hbm>>)
    %dma_wait3A_276 = arith.constant 47 : i32
    %dma_wait3A_277 = arith.constant 0 : i32
    %dma_wait3A_278 = tpu.memref_slice %arg4[%dma_wait3A_276, %mul3A_2, %dma_wait3A_277] : memref<50x4096x128xf32, #tpu.memory_space<hbm>> -> memref<1x128x128xf32, #tpu.memory_space<hbm>>
    %dma_wait3A_279 = arith.constant 47 : i32
    %dma_wait3A_280 = arith.constant 0 : i32
    %dma_wait3A_281 = tpu.memref_slice %arg4[%dma_wait3A_279, %mul3A_2, %dma_wait3A_280] : memref<50x4096x128xf32, #tpu.memory_space<hbm>> -> memref<1x128x128xf32, #tpu.memory_space<hbm>>
    tpu.wait_dma2 semaphore(%arg25 : memref<!tpu.dma_semaphore, #tpu.memory_space<semaphore_mem>>) src(%arg11 : memref<1x128x128xf32, #tpu.memory_space<vmem>>) dst(%dma_wait3A_281 : memref<1x128x128xf32, #tpu.memory_space<hbm>>)
    %dma_wait3A_282 = arith.constant 48 : i32
    %dma_wait3A_283 = arith.constant 0 : i32
    %dma_wait3A_284 = tpu.memref_slice %arg4[%dma_wait3A_282, %mul3A_2, %dma_wait3A_283] : memref<50x4096x128xf32, #tpu.memory_space<hbm>> -> memref<1x128x128xf32, #tpu.memory_space<hbm>>
    %dma_wait3A_285 = arith.constant 48 : i32
    %dma_wait3A_286 = arith.constant 0 : i32
    %dma_wait3A_287 = tpu.memref_slice %arg4[%dma_wait3A_285, %mul3A_2, %dma_wait3A_286] : memref<50x4096x128xf32, #tpu.memory_space<hbm>> -> memref<1x128x128xf32, #tpu.memory_space<hbm>>
    tpu.wait_dma2 semaphore(%arg26 : memref<!tpu.dma_semaphore, #tpu.memory_space<semaphore_mem>>) src(%arg12 : memref<1x128x128xf32, #tpu.memory_space<vmem>>) dst(%dma_wait3A_287 : memref<1x128x128xf32, #tpu.memory_space<hbm>>)
    %dma_wait3A_288 = arith.constant 49 : i32
    %dma_wait3A_289 = arith.constant 0 : i32
    %dma_wait3A_290 = tpu.memref_slice %arg4[%dma_wait3A_288, %mul3A_2, %dma_wait3A_289] : memref<50x4096x128xf32, #tpu.memory_space<hbm>> -> memref<1x128x128xf32, #tpu.memory_space<hbm>>
    %dma_wait3A_291 = arith.constant 49 : i32
    %dma_wait3A_292 = arith.constant 0 : i32
    %dma_wait3A_293 = tpu.memref_slice %arg4[%dma_wait3A_291, %mul3A_2, %dma_wait3A_292] : memref<50x4096x128xf32, #tpu.memory_space<hbm>> -> memref<1x128x128xf32, #tpu.memory_space<hbm>>
    tpu.wait_dma2 semaphore(%arg20 : memref<!tpu.dma_semaphore, #tpu.memory_space<semaphore_mem>>) src(%arg6 : memref<1x128x128xf32, #tpu.memory_space<vmem>>) dst(%dma_wait3A_293 : memref<1x128x128xf32, #tpu.memory_space<hbm>>)
    return
  }
}

</mosaic_0001>

<sc_bundles>
// kernel: kernel.3.cloned.1.call-start
scs
__scs_entry_jumppad:
0x0: {  	(pc) =	sbr.rel $0x88, $3  }
0x1: {  	(tag) =	ssettag $0x0;
	lr =	simm.s32 $0x1  }
0x2: {  	[smem:$0x3F9F] =	sst lr;
	_ =	strace $0xD0000000  }
0x3: {  	_ = 	snop  }
0x4: {  	_ = 	snop  }
0x5: {  	_ = 	snop  }
0x6: {  	_ = 	snop  }
0x7: {  	_ = 	snop  }
__scs_overlays_trampoline_lowered:
0x8: {  	[smem:$0x3FAE] =	sst s0  }
0x9: {  	[smem:$0x3FAF] =	sst s1  }
0xa: {  	[smem:$0x3FB0] =	sst s2  }
0xb: {  	[smem:$0x3FB1] =	sst s3  }
0xc: {  	[smem:$0x3FB2] =	sst s4  }
0xd: {  	[smem:$0x3FB3] =	sst s5  }
0xe: {  	[smem:$0x3FB4] =	sst s6  }
0xf: {  	[smem:$0x3FB5] =	sst s7  }
0x10: {  	[smem:$0x3FB6] =	sst s8  }
0x11: {  	[smem:$0x3FB7] =	sst s9;
	s0 =	simm.s32 @!p0 $0x0  }
0x12: {  	s1 =	sld [smem:$0x3F9D];
	s0 =	simm.s32 @p0 $0x1  }
0x13: {  	[smem:$0x3FB8] =	sst s0;
	s0 =	simm.s32 @!p1 $0x0  }
0x14: {  	s2 =	sld [smem:$0x3F9C];
	s0 =	simm.s32 @p1 $0x1  }
0x15: {  	[smem:$0x3FB9] =	sst s0;
	s0 =	simm.s32 @!p2 $0x0  }
0x16: {  	s3 =	sld [smem:$0x3FDB];
	s0 =	simm.s32 @p2 $0x1  }
0x17: {  	s4 =	simm.s32 $0x1BF5;
	[smem:$0x3FBB] =	sst s0  }
0x18: {  	s0 =	sld [smem:$0x3F9E];
	_ =	swait.ge [sflag:s4], $0x0  }
0x19: {  	s7 =	sld [smem:$0x3F9F]  }
0x1a: {  	s8 =	sadd.s32 $0xFFFFE003, lr  }
0x1b: {  	s9 =	sadd.s32 $0xFFFFFEF7, lr;
	s5 =	simm.s32 $0xFFFFFFFF;
	p2 =	slt.u32 s8, $0xFFFFF086  }
0x1c: {  	p1 =	slt.u32 s9, $0xF7A;
	s5 =	simm.s32 @!p2 $0x0  }
0x1d: {  	s5 =	simm.s32 @p1 $0x1;
	p0 =	seq.s32 s7, s2  }
0x1e: {  	s7 =	smul.u32 @!p0 $0xF7A, s2;
	p2 =	seq.s32 @!p0 s5, $0x0  }
0x1f: {  	s9 =	smul.u32 $0xF7A, s1;
	s8 =	simm.s32 @!p0 $0x1BF5;
	p2 =	por !p2, p0  }
0x20: {  	[sflag:s8] =	ssyncset.s32 @!p0 $0xFFFFF086;
	s6 =	sadd.s32 @!p0 s3, s7;
	s7 =	simm.s32 @!p0 $0x108  }
0x21: {  	s3 =	sadd.s32 s3, s9;
	s6 =	sadd.s32 @!p0 $0x88, s6;
	s7 =	simm.s32 @p2 $0x1082  }
0x22: {  	[simem:s7], [sflag:s8] =	dma.local @!p0 [hbm:s6], $0xF7A  }
0x23: {  	s9 =	sor.u32 $0xD0000000, s2;
	s6 =	simm.s32 $0x108;
	_ =	swait.ge @!p0 [sflag:s8], $0x0  }
0x24: {  	s3 =	sadd.s32 $0x88, s3;
	s6 =	simm.s32 @!p1 $0x1082;
	[sflag:s4] =	ssyncset.s32 $0xFFFFF086  }
0x25: {  	[simem:s6], [sflag:s4] =	dma.local [hbm:s3], $0xF7A  }
0x26: {  	[smem:$0x3F9F] =	sst s1;
	(tag) =	ssettag s2;
	_ =	strace s9  }
0x27: {  	s1 =	sld [smem:$0x3FAF]  }
0x28: {  	s2 =	sld [smem:$0x3FB0]  }
0x29: {  	s4 =	sld [smem:$0x3FB2]  }
0x2a: {  	p0 =	seq.s32 s5, $0x0;
	s5 =	sld [smem:$0x3FB3]  }
0x2b: {  	s6 =	sld [smem:$0x3FB4]  }
0x2c: {  	s7 =	sld [smem:$0x3FB5]  }
0x2d: {  	s3 =	simm.s32 $0x108;
	s8 =	sld [smem:$0x3FB6]  }
0x2e: {  	s3 =	simm.s32 @!p0 $0x1082;
	s9 =	sld [smem:$0x3FB7]  }
0x2f: {  	lr =	sadd.s32 s0, s3;
	s0 =	sld [smem:$0x3FAE]  }
0x30: {  	s3 =	sld [smem:$0x3FB1]  }
0x31: {  	[smem:$0x3FBA] =	sst s10  }
0x32: {  	s10 =	sld [smem:$0x3FB8];
	_ =	sdelay $0x3  }
0x33: {  	p0 =	seq.s32 s10, $0x1;
	s10 =	sld [smem:$0x3FBA];
	_ =	sdelay $0x3  }
0x34: {  	[smem:$0x3FBA] =	sst s10  }
0x35: {  	s10 =	sld [smem:$0x3FB9];
	_ =	sdelay $0x3  }
0x36: {  	p1 =	seq.s32 s10, $0x1;
	s10 =	sld [smem:$0x3FBA];
	_ =	sdelay $0x3  }
0x37: {  	[smem:$0x3FBA] =	sst s10  }
0x38: {  	s10 =	sld [smem:$0x3FBB]  }
0x39: {  	_ = 	snop;
	(pc) =	sbr.ind lr, $3  }
0x3a: {  	_ = 	snop  }
0x3b: {  	_ = 	snop  }
0x3c: {  	p2 =	seq.s32 s10, $0x1;
	s10 =	sld [smem:$0x3FBA]  }
0x3d: {  	_ =	shalt  }
0x3e: {  	_ =	shalt  }
0x3f: {  	_ =	shalt  }
0x40: {  	_ =	shalt  }
0x41: {  	_ =	shalt  }
0x42: {  	_ =	shalt  }
0x43: {  	_ =	shalt  }
0x44: {  	_ =	shalt  }
0x45: {  	_ =	shalt  }
0x46: {  	_ =	shalt  }
0x47: {  	_ =	shalt  }
0x48: {  	_ =	shalt  }
0x49: {  	_ =	shalt  }
0x4a: {  	_ =	shalt  }
0x4b: {  	_ =	shalt  }
0x4c: {  	_ =	shalt  }
0x4d: {  	_ =	shalt  }
0x4e: {  	_ =	shalt  }
0x4f: {  	_ =	shalt  }
0x50: {  	_ =	shalt  }
0x51: {  	_ =	shalt  }
0x52: {  	_ =	shalt  }
0x53: {  	_ =	shalt  }
0x54: {  	_ =	shalt  }
0x55: {  	_ =	shalt  }
0x56: {  	_ =	shalt  }
0x57: {  	_ =	shalt  }
0x58: {  	_ =	shalt  }
0x59: {  	_ =	shalt  }
0x5a: {  	_ =	shalt  }
0x5b: {  	_ =	shalt  }
0x5c: {  	_ =	shalt  }
0x5d: {  	_ =	shalt  }
0x5e: {  	_ =	shalt  }
0x5f: {  	_ =	shalt  }
0x60: {  	_ =	shalt  }
0x61: {  	_ =	shalt  }
0x62: {  	_ =	shalt  }
0x63: {  	_ =	shalt  }
0x64: {  	_ =	shalt  }
0x65: {  	_ =	shalt  }
0x66: {  	_ =	shalt  }
0x67: {  	_ =	shalt  }
0x68: {  	_ =	shalt  }
0x69: {  	_ =	shalt  }
0x6a: {  	_ =	shalt  }
0x6b: {  	_ =	shalt  }
0x6c: {  	_ =	shalt  }
0x6d: {  	_ =	shalt  }
0x6e: {  	_ =	shalt  }
0x6f: {  	_ =	shalt  }
0x70: {  	_ =	shalt  }
0x71: {  	_ =	shalt  }
0x72: {  	_ =	shalt  }
0x73: {  	_ =	shalt  }
0x74: {  	_ =	shalt  }
0x75: {  	_ =	shalt  }
0x76: {  	_ =	shalt  }
0x77: {  	_ =	shalt  }
0x78: {  	_ =	shalt  }
0x79: {  	_ =	shalt  }
0x7a: {  	_ =	shalt  }
0x7b: {  	_ =	shalt  }
0x7c: {  	_ =	shalt  }
0x7d: {  	_ =	shalt  }
0x7e: {  	_ =	shalt  }
0x7f: {  	_ =	shalt  }
0x80: {  	_ =	shalt  }
0x81: {  	_ =	shalt  }
0x82: {  	_ =	shalt  }
0x83: {  	_ =	shalt  }
0x84: {  	_ =	shalt  }
0x85: {  	_ =	shalt  }
0x86: {  	_ =	shalt  }
0x87: {  	_ =	shalt  }
.Lfunc_end0:
.L_simem_size_0:
called_computation_lowered:
.L_overlay_start_0:
0x88: {  	s2 =	sld [smem:$0x3FD9]  }
0x89: {  	s3 =	sld [smem:$0x3FFE];
	_ =	sdelay $0x1  }
0x8a: {  	s1 =	srdreg.scid  }
0x8b: {  	s0 =	sand.u32 $0x1, s1  }
0x8c: {  	s18 =	sshll.u32 s0, $0xA;
	s2 =	sadd.s32 s3, s2  }
0x8d: {  	s2 =	sadd.s32 s2, s18  }
0x8e: {  	[smem:$0x3FC6] =	sst s2  }
0x8f: {  	_ = 	snop  }
0x90: {  	s2 =	sld [smem:$0x3FC9]  }
0x91: {  	s19 =	sld [smem:$0x3FC8]  }
0x92: {  	s4 =	sld [smem:$0x3FD0];
	(tm) =	ssettm $0x1  }
0x93: {  	s5 =	sld [smem:$0x3FFB];
	_ =	sdelay $0x3  }
0x94: {  	_ =	strace s5  }
0x95: {  	s5 =	sld [smem:$0x3FFC];
	_ =	sdelay $0x3  }
0x96: {  	_ =	strace s5  }
0x97: {  	s5 =	sld [smem:$0x3FFD];
	_ =	sdelay $0x3  }
0x98: {  	_ =	strace s5  }
0x99: {  	_ =	strace $0x8FFFFFFF  }
0x9a: {  	s20 =	sld [smem:$0x3FDB];
	_ =	sdelay $0x1  }
0x9b: {  	s6 =	simm.s32 $_scs_section_size  }
0x9c: {  	s7 =	simm.s32 $_size__tile_overlayer_lowered;
	s8 =	simm.s32 $_tile_overlayer_lowered  }
0x9d: {  	s23 =	simm.s32 $0x1BFF;
	s22 =	sshll.u32 s8, $0x1;
	s5 =	sadd.s32 s6, s20  }
0x9e: {  	s9 =	simm.s32 $0x0;
	s21 =	sshll.u32 s7, $0x1;
	s7 =	sadd.s32 s22, s5  }
0x9f: {  	[timem:s9], [sflag:s23] =	dma.local [hbm:s7], s21  }
0xa0: {  	_ =	swait.ge [sflag:s23], s21  }
0xa1: {  	s6 =	ssub.s32 $0x0, s21;
	[sflag:s23] =	ssyncset.done $0x0  }
0xa2: {  	[sflag:s23] =	ssyncadd.s32 s6;
	_ =	sdelay $0x1  }
0xa3: {  	s24 =	simm.s32 $0x1B8B  }
0xa4: {  	_ =	swait.ge [sflag:s24], $0x1  }
0xa5: {  	[sflag:s24] =	ssyncset.done $0x0  }
0xa6: {  	s25 =	simm.s32 $0x1B8E;
	[sflag:s24] =	ssyncadd.s32 $0xFFFFFFFF  }
0xa7: {  	s26 =	simm.s32 $execute0_lowered;
	[smem:$0x3FD2] =	sst s25  }
0xa8: {  	s6 =	sshll.u32 s26, $0x1;
	_ =	strace $0x80000046;
	[dreg:$0x1] =	wrdreg $0xFFFFFFFF  }
0xa9: {  	s28 =	simm.s32 $_size_execute0_lowered;
	s5 =	sadd.s32 s5, s6;
	[dreg:$0x0] =	wrdreg $0x0  }
0xaa: {  	s6 =	sshll.u32 s28, $0x1;
	[dreg:$0x2] =	wrdreg s5  }
0xab: {  	[dreg:$0x3] =	wrdreg s6  }
0xac: {  	[dreg:$0x4] =	wrdreg $0xC0  }
0xad: {  	_ =	task [dreg:s9], $0x5FFFF  }
0xae: {  	[dreg:$0x1] =	wrdreg $0xFFFFFFFF  }
0xaf: {  	[dreg:$0x0] =	wrdreg $0x60  }
0xb0: {  	[dreg:$0x2] =	wrdreg s2  }
0xb1: {  	[dreg:$0x3] =	wrdreg s19  }
0xb2: {  	[dreg:$0x4] =	wrdreg s4  }
0xb3: {  	[dreg:$0x5] =	wrdreg $0x9  }
0xb4: {  	_ =	task.clear_ibuf [dreg:s9], $0x6FFFF;
	_ =	strace $0x90000046  }
0xb5: {  	s29 =	simm.s32 $0x9;
	_ =	strace $0x80000048  }
0xb6: {  	_ =	swait.ge [sflag:s29], $0x1  }
0xb7: {  	[sflag:s29] =	ssyncadd.s32 $0xFFFFFFFF  }
0xb8: {  	_ =	strace $0x90000048  }
0xb9: {  	_ =	sfence  }
0xba: {  	s30 =	sld [smem:$0x0];
	_ =	sdelay $0x2  }
0xbb: {  	s31 =	sshll.u32 s1, $0xD;
	s1 =	sshrl.u32 s1, $0x2  }
0xbc: {  	s3 =	sand.u32 $0x4000, s31;
	s1 =	sadd.s32 s1, s30  }
0xbd: {  	s0 =	sor.u32 s3, s0;
	s1 =	sshll.u32 s1, $0x11  }
0xbe: {  	s0 =	sor.u32 s1, s0  }
0xbf: {  	s0 =	sadd.s32 $0x8F2B, s0  }
0xc0: {  	[sflag:s0] =	ssyncadd.remote.s32 $0x1  }
0xc1: {  	_ =	sfence.sel $0xFFFF  }
0xc2: {  	[dreg:$0x0] =	wrdreg $0xFFFFFFFF;
	(pc) =	sbr.abs _section_cstart, $3  }
0xc3: {  	[dreg:$0x1] =	wrdreg $0xFFFFFFFF  }
0xc4: {  	_ =	task.clear_ibuf [dreg:s9], $0x2FFFF;
	_ =	strace $0x9FFFFFFF  }
0xc5: {  	(tm) =	ssettm $0x7FFFFFFF  }
tec
execute0_lowered:
.L_overlay_start_1:
0x0: {  	(tag) =	ssettag $0x1  }
0x1: {  	s0 =	rddreg [dreg:$0x0]  }
0x2: {  	s1 =	rddreg [dreg:$0x1]  }
0x3: {  	s23 =	rddreg [dreg:$0x2];
	s2 =	srdreg.scid  }
0x4: {  	s4 =	simm.s32 $0x0;
	s7 =	stileid.u32;
	s2 =	sand.u32 $0x1, s2  }
0x5: {  	[smem:$0x7FF] =	sst s4;
	s3 =	sshll.u32 s7, $0x8;
	s5 =	sshll.u32 s2, $0x7  }
0x6: {  	_ =	strace $0x80000047;
	s6 =	ssub.s32 $0x2, s2;
	s3 =	sor.u32 s5, s3  }
0x7: {  	s29 =	sshrl.u32 s6, $0x1;
	s8 =	sadd.s32 s0, s3;
	s30 =	sshll.u32 s3, $0x4  }
0x8: {  	s31 =	ssub.s32 s6, s29;
	[dreg:$0x4] =	wrdreg s8;
	s6 =	sadd.s32 $0x6000, s8  }
0x9: {  	s8 =	sadd.s32 s23, s30;
	[dreg:$0x5] =	wrdreg s6  }
0xa: {  	s16 =	smax.u32 s31, $0x1;
	[dreg:$0x6] =	wrdreg s8  }
0xb: {  	s0 =	sadd.s32 $0x2B0000, s8;
	[dreg:$0xe] =	wrdreg s16  }
0xc: {  	s9 =	sadd.s32 $0x2C0000, s8;
	[dreg:$0x7] =	wrdreg s0  }
0xd: {  	s28 =	simm.s32 $0x80;
	s10 =	sadd.s32 $0x2D0000, s8;
	[dreg:$0x8] =	wrdreg s9  }
0xe: {  	s12 =	sshll.u32 s7, $0xF;
	s11 =	sadd.s32 $0x2E0000, s8;
	[dreg:$0x9] =	wrdreg s10  }
0xf: {  	s7 =	simm.s32 $0x7;
	s13 =	sadd.s32 $0x2F0000, s8;
	[dreg:$0xa] =	wrdreg s11  }
0x10: {  	s2 =	sshll.u32 s2, $0xE;
	s14 =	sadd.s32 $0x300000, s8;
	[dreg:$0xb] =	wrdreg s13  }
0x11: {  	s5 =	simm.s32 $0x5;
	s15 =	sadd.s32 $0x310000, s8;
	[dreg:$0xc] =	wrdreg s14  }
0x12: {  	s16 =	simm.s32 $0xE;
	s0 =	sor.u32 s2, s12;
	[dreg:$0xd] =	wrdreg s15  }
0x13: {  	s11 =	simm.s32 $0x4;
	s12 =	simm.s32 $0xA;
	s13 =	simm.s32 $0xB  }
0x14: {  	s14 =	simm.s32 $0x6;
	s17 =	sor.u32 $0x300000, s0;
	s18 =	sor.u32 $0x280000, s0  }
0x15: {  	s19 =	sor.u32 $0x200000, s0;
	s24 =	sor.u32 $0x180000, s0;
	s25 =	sor.u32 $0x100000, s0  }
0x16: {  	s26 =	sor.u32 $0x80000, s0;
	s0 =	sor.u32 $0x380000, s0;
	s2 =	sshrl.u32 s17, $0x3  }
0x17: {  	s21 =	sshrl.u32 s19, $0x3;
	[dreg:$0x15] =	wrdreg s0;
	s2 =	sadd.s32 s2, s23  }
0x18: {  	s20 =	sshrl.u32 s18, $0x3;
	s22 =	sadd.s32 s21, s23;
	[dreg:$0xf] =	wrdreg s2  }
0x19: {  	s30 =	sshrl.u32 s26, $0x3;
	s2 =	sadd.s32 s20, s23;
	[dreg:$0x11] =	wrdreg s22  }
0x1a: {  	s31 =	sadd.s32 s30, s23;
	[dreg:$0x10] =	wrdreg s2;
	s2 =	sshrl.u32 s24, $0x3  }
0x1b: {  	s29 =	sshrl.u32 s25, $0x3;
	[dreg:$0x14] =	wrdreg s31;
	s2 =	sadd.s32 s2, s23  }
0x1c: {  	s15 =	simm.s32 $0xC;
	[dreg:$0x12] =	wrdreg s2;
	s2 =	sadd.s32 s29, s23  }
0x1d: {  	s26 =	simm.s32 $0xD;
	[dreg:$0x13] =	wrdreg s2;
	s2 =	simm.s32 $0x0  }
.LBB2_1:
0x1e: {  	[dreg:$0x16] =	wrdreg s2  }
0x1f: {  	s0 =	rddreg [dreg:$0x4];
	s3 =	simm.s32 $0x400;
	s17 =	simm.s32 $0x8000  }
0x20: {  	[tilespmem:s4], [sflag:$0xF] =	stream.strided.gather [hbm4b:s0+s3], $0x1800, s17, s3, $0x38;
	[tilespmem:$0x1DC00] =	vst v63  }
0x21: {  	s18 =	rddreg [dreg:$0x5];
	s19 =	simm.s32 $0x1800;
	s20 =	simm.s32 $0xF  }
0x22: {  	[tilespmem:s19], [sflag:$0xF] =	stream.linear.gather [hbm4b:s18+s4], $0x100, $0x38;
	[tilespmem:$0x1DC00] =	vst v63  }
0x23: {  	_ =	swait.ge [sflag:s20], $0x1900  }
0x24: {  	[sflag:s20] =	ssyncset.done $0x0  }
0x25: {  	s3 =	simm.s32 $0x1C00;
	[sflag:s20] =	ssyncadd.s32 $0xFFFFE700  }
0x26: {  	[tilespmem:s3], [sflag:$0x1] =	stream.indirect.gather [hbm4b:s1+s28], $0x80, s4, s28, $0xb8;
	[tilespmem:$0x1DC00] =	vst v63  }
0x27: {  	s2 =	simm.s32 $0x5C00  }
0x28: {  	[tilespmem:s2], [sflag:$0x2] =	stream.indirect.gather [hbm4b:s1+s28], $0x80, s28, s28, $0xb8;
	[tilespmem:$0x1DC00] =	vst v63  }
0x29: {  	s21 =	simm.s32 $0x100;
	s17 =	simm.s32 $0x9C00  }
0x2a: {  	[tilespmem:s17], [sflag:$0x3] =	stream.indirect.gather [hbm4b:s1+s28], $0x80, s21, s28, $0xb8;
	[tilespmem:$0x1DC00] =	vst v63  }
0x2b: {  	s22 =	simm.s32 $0x180;
	s18 =	simm.s32 $0xDC00  }
0x2c: {  	[tilespmem:s18], [sflag:$0x4] =	stream.indirect.gather [hbm4b:s1+s28], $0x80, s22, s28, $0xb8;
	[tilespmem:$0x1DC00] =	vst v63  }
0x2d: {  	s24 =	simm.s32 $0x200;
	s6 =	simm.s32 $0x11C00  }
0x2e: {  	[tilespmem:s6], [sflag:$0x5] =	stream.indirect.gather [hbm4b:s1+s28], $0x80, s24, s28, $0xb8;
	[tilespmem:$0x1DC00] =	vst v63  }
0x2f: {  	s25 =	simm.s32 $0x280;
	s8 =	simm.s32 $0x15C00;
	s9 =	simm.s32 $0x1  }
0x30: {  	[tilespmem:s8], [sflag:$0x6] =	stream.indirect.gather [hbm4b:s1+s28], $0x80, s25, s28, $0xb8;
	[tilespmem:$0x1DC00] =	vst v63  }
0x31: {  	_ =	swait.ge [sflag:s9], $0x4000  }
0x32: {  	[sflag:s9] =	ssyncset.done $0x0  }
0x33: {  	s30 =	rddreg [dreg:$0x6];
	[sflag:s9] =	ssyncadd.s32 $0xFFFFC000  }
0x34: {  	[hbm4b:s30+s4] =	stream.linear.scatter [tilespmem:s3], [sflag:$0x8], $0x4000, $0x38;
	[tilespmem:$0x1DC00] =	vst v63  }
0x35: {  	s31 =	simm.s32 $0x300;
	s10 =	simm.s32 $0x2;
	s22 =	simm.s32 $0x19C00  }
0x36: {  	[tilespmem:s22], [sflag:$0x7] =	stream.indirect.gather [hbm4b:s1+s28], $0x80, s31, s28, $0xb8;
	[tilespmem:$0x1DC00] =	vst v63  }
0x37: {  	_ =	swait.ge [sflag:s10], $0x4000  }
0x38: {  	[sflag:s10] =	ssyncset.done $0x0  }
0x39: {  	s19 =	simm.s32 $0x8;
	[sflag:s10] =	ssyncadd.s32 $0xFFFFC000  }
0x3a: {  	_ =	swait.ge [sflag:s19], $0x4000  }
0x3b: {  	[sflag:s19] =	ssyncset.done $0x0  }
0x3c: {  	s20 =	simm.s32 $0x380;
	[sflag:s19] =	ssyncadd.s32 $0xFFFFC000  }
0x3d: {  	[tilespmem:s3], [sflag:$0x1] =	stream.indirect.gather [hbm4b:s1+s28], $0x80, s20, s28, $0xb8;
	[tilespmem:$0x1DC00] =	vst v63  }
0x3e: {  	s21 =	simm.s32 $0x3;
	s19 =	rddreg [dreg:$0x14]  }
0x3f: {  	[hbm4b:s19+s4] =	stream.linear.scatter [tilespmem:s2], [sflag:$0x9], $0x4000, $0x38;
	[tilespmem:$0x1DC00] =	vst v63  }
0x40: {  	_ =	swait.ge [sflag:s21], $0x4000  }
0x41: {  	[sflag:s21] =	ssyncset.done $0x0  }
0x42: {  	s24 =	simm.s32 $0x9;
	[sflag:s21] =	ssyncadd.s32 $0xFFFFC000  }
0x43: {  	_ =	swait.ge [sflag:s24], $0x4000  }
0x44: {  	[sflag:s24] =	ssyncset.done $0x0  }
0x45: {  	s25 =	simm.s32 $0x400;
	[sflag:s24] =	ssyncadd.s32 $0xFFFFC000  }
0x46: {  	[tilespmem:s2], [sflag:$0x2] =	stream.indirect.gather [hbm4b:s1+s28], $0x80, s25, s28, $0xb8;
	[tilespmem:$0x1DC00] =	vst v63  }
0x47: {  	s21 =	rddreg [dreg:$0x13]  }
0x48: {  	[hbm4b:s21+s4] =	stream.linear.scatter [tilespmem:s17], [sflag:$0xA], $0x4000, $0x38;
	[tilespmem:$0x1DC00] =	vst v63  }
0x49: {  	_ =	swait.ge [sflag:s11], $0x4000  }
0x4a: {  	[sflag:s11] =	ssyncset.done $0x0  }
0x4b: {  	[sflag:s11] =	ssyncadd.s32 $0xFFFFC000  }
0x4c: {  	_ =	swait.ge [sflag:s12], $0x4000  }
0x4d: {  	[sflag:s12] =	ssyncset.done $0x0  }
0x4e: {  	s30 =	simm.s32 $0x480;
	[sflag:s12] =	ssyncadd.s32 $0xFFFFC000  }
0x4f: {  	[tilespmem:s17], [sflag:$0x3] =	stream.indirect.gather [hbm4b:s1+s28], $0x80, s30, s28, $0xb8;
	[tilespmem:$0x1DC00] =	vst v63  }
0x50: {  	s29 =	rddreg [dreg:$0x12]  }
0x51: {  	[hbm4b:s29+s4] =	stream.linear.scatter [tilespmem:s18], [sflag:$0xB], $0x4000, $0x38;
	[tilespmem:$0x1DC00] =	vst v63  }
0x52: {  	_ =	swait.ge [sflag:s5], $0x4000  }
0x53: {  	[sflag:s5] =	ssyncset.done $0x0  }
0x54: {  	[sflag:s5] =	ssyncadd.s32 $0xFFFFC000  }
0x55: {  	_ =	swait.ge [sflag:s13], $0x4000  }
0x56: {  	[sflag:s13] =	ssyncset.done $0x0  }
0x57: {  	s31 =	simm.s32 $0x500;
	[sflag:s13] =	ssyncadd.s32 $0xFFFFC000  }
0x58: {  	[tilespmem:s18], [sflag:$0x4] =	stream.indirect.gather [hbm4b:s1+s28], $0x80, s31, s28, $0xb8;
	[tilespmem:$0x1DC00] =	vst v63  }
0x59: {  	s2 =	rddreg [dreg:$0x11]  }
0x5a: {  	[hbm4b:s2+s4] =	stream.linear.scatter [tilespmem:s6], [sflag:$0xC], $0x4000, $0x38;
	[tilespmem:$0x1DC00] =	vst v63  }
0x5b: {  	_ =	swait.ge [sflag:s14], $0x4000  }
0x5c: {  	[sflag:s14] =	ssyncset.done $0x0  }
0x5d: {  	[sflag:s14] =	ssyncadd.s32 $0xFFFFC000  }
0x5e: {  	_ =	swait.ge [sflag:s15], $0x4000  }
0x5f: {  	[sflag:s15] =	ssyncset.done $0x0  }
0x60: {  	s3 =	simm.s32 $0x580;
	[sflag:s15] =	ssyncadd.s32 $0xFFFFC000  }
0x61: {  	[tilespmem:s6], [sflag:$0x5] =	stream.indirect.gather [hbm4b:s1+s28], $0x80, s3, s28, $0xb8;
	[tilespmem:$0x1DC00] =	vst v63  }
0x62: {  	s25 =	rddreg [dreg:$0x10]  }
0x63: {  	[hbm4b:s25+s4] =	stream.linear.scatter [tilespmem:s8], [sflag:$0xD], $0x4000, $0x38;
	[tilespmem:$0x1DC00] =	vst v63  }
0x64: {  	_ =	swait.ge [sflag:s7], $0x4000  }
0x65: {  	[sflag:s7] =	ssyncset.done $0x0  }
0x66: {  	[sflag:s7] =	ssyncadd.s32 $0xFFFFC000  }
0x67: {  	_ =	swait.ge [sflag:s26], $0x4000  }
0x68: {  	[sflag:s26] =	ssyncset.done $0x0  }
0x69: {  	s6 =	simm.s32 $0x600;
	[sflag:s26] =	ssyncadd.s32 $0xFFFFC000  }
0x6a: {  	[tilespmem:s8], [sflag:$0x6] =	stream.indirect.gather [hbm4b:s1+s28], $0x80, s6, s28, $0xb8;
	[tilespmem:$0x1DC00] =	vst v63  }
0x6b: {  	s10 =	rddreg [dreg:$0xf]  }
0x6c: {  	[hbm4b:s10+s4] =	stream.linear.scatter [tilespmem:s22], [sflag:$0xE], $0x4000, $0x38;
	[tilespmem:$0x1DC00] =	vst v63  }
0x6d: {  	_ =	swait.ge [sflag:s9], $0x4000  }
0x6e: {  	s19 =	sadd.s32 $0x70000, s19;
	[sflag:s9] =	ssyncset.done $0x0  }
0x6f: {  	s24 =	simm.s32 $0x680;
	s21 =	sadd.s32 $0x70000, s21;
	[sflag:s9] =	ssyncadd.s32 $0xFFFFC000  }
0x70: {  	s17 =	sadd.s32 $0x70000, s29;
	s18 =	simm.s32 $0xE00;
	_ =	swait.ge [sflag:s16], $0x4000  }
0x71: {  	s29 =	sadd.s32 $0x70000, s25;
	s30 =	rddreg [dreg:$0x15];
	[sflag:s16] =	ssyncset.done $0x0  }
0x72: {  	s3 =	sadd.s32 $0x70000, s10;
	[sflag:s16] =	ssyncadd.s32 $0xFFFFC000;
	s31 =	sshrl.u32 s30, $0x3  }
0x73: {  	[tilespmem:s22], [sflag:$0x7] =	stream.indirect.gather [hbm4b:s1+s28], $0x80, s24, s28, $0xb8;
	[tilespmem:$0x1DC00] =	vst v63  }
0x74: {  	s20 =	sadd.s32 $0x380000, s30;
	s22 =	sadd.s32 $0x70000, s2;
	s0 =	sadd.s32 s23, s31  }
.LBB2_2:
0x75: {  	s2 =	simm.s32 $0x1C00  }
0x76: {  	[hbm4b:s0+s4] =	stream.linear.scatter [tilespmem:s2], [sflag:$0x8], $0x4000, $0x38;
	[tilespmem:$0x1DC00] =	vst v63  }
0x77: {  	s30 =	smov.u32 s20;
	s6 =	simm.s32 $0x2;
	s0 =	smov.u32 s18  }
0x78: {  	p0 =	sne.s32 s18, $0x4600;
	s18 =	sadd.s32 $0xE00, s18;
	_ =	swait.ge [sflag:s6], $0x4000  }
0x79: {  	[sflag:s6] =	ssyncset.done $0x0  }
0x7a: {  	[sflag:s6] =	ssyncadd.s32 $0xFFFFC000;
	s6 =	simm.s32 $0x8  }
0x7b: {  	_ =	swait.ge [sflag:s6], $0x4000  }
0x7c: {  	s0 =	sshra.s32 s0, $0x2;
	[sflag:s6] =	ssyncset.done $0x0  }
0x7d: {  	s25 =	smov.u32 s23;
	s23 =	sadd.s32 $0x380, s0;
	[sflag:s6] =	ssyncadd.s32 $0xFFFFC000  }
0x7e: {  	[tilespmem:s2], [sflag:$0x1] =	stream.indirect.gather [hbm4b:s1+s28], $0x80, s23, s28, $0xb8;
	[tilespmem:$0x1DC00] =	vst v63  }
0x7f: {  	s31 =	simm.s32 $0x5C00;
	s2 =	simm.s32 $0x3  }
0x80: {  	[hbm4b:s19+s4] =	stream.linear.scatter [tilespmem:s31], [sflag:$0x9], $0x4000, $0x38;
	[tilespmem:$0x1DC00] =	vst v63  }
0x81: {  	_ =	swait.ge [sflag:s2], $0x4000  }
0x82: {  	[sflag:s2] =	ssyncset.done $0x0  }
0x83: {  	[sflag:s2] =	ssyncadd.s32 $0xFFFFC000;
	s2 =	simm.s32 $0x9  }
0x84: {  	_ =	swait.ge [sflag:s2], $0x4000  }
0x85: {  	[sflag:s2] =	ssyncset.done $0x0  }
0x86: {  	s23 =	sadd.s32 $0x400, s0;
	[sflag:s2] =	ssyncadd.s32 $0xFFFFC000;
	s2 =	simm.s32 $0x5C00  }
0x87: {  	[tilespmem:s31], [sflag:$0x2] =	stream.indirect.gather [hbm4b:s1+s28], $0x80, s23, s28, $0xb8;
	[tilespmem:$0x1DC00] =	vst v63  }
0x88: {  	s24 =	simm.s32 $0x9C00  }
0x89: {  	[hbm4b:s21+s4] =	stream.linear.scatter [tilespmem:s24], [sflag:$0xA], $0x4000, $0x38;
	[tilespmem:$0x1DC00] =	vst v63  }
0x8a: {  	_ =	swait.ge [sflag:s11], $0x4000  }
0x8b: {  	[sflag:s11] =	ssyncset.done $0x0  }
0x8c: {  	[sflag:s11] =	ssyncadd.s32 $0xFFFFC000  }
0x8d: {  	_ =	swait.ge [sflag:s12], $0x4000  }
0x8e: {  	[sflag:s12] =	ssyncset.done $0x0  }
0x8f: {  	s23 =	sadd.s32 $0x480, s0;
	s31 =	simm.s32 $0x9C00;
	[sflag:s12] =	ssyncadd.s32 $0xFFFFC000  }
0x90: {  	[tilespmem:s24], [sflag:$0x3] =	stream.indirect.gather [hbm4b:s1+s28], $0x80, s23, s28, $0xb8;
	[tilespmem:$0x1DC00] =	vst v63  }
0x91: {  	s6 =	simm.s32 $0xDC00  }
0x92: {  	[hbm4b:s17+s4] =	stream.linear.scatter [tilespmem:s6], [sflag:$0xB], $0x4000, $0x38;
	[tilespmem:$0x1DC00] =	vst v63  }
0x93: {  	_ =	swait.ge [sflag:s5], $0x4000  }
0x94: {  	[sflag:s5] =	ssyncset.done $0x0  }
0x95: {  	[sflag:s5] =	ssyncadd.s32 $0xFFFFC000  }
0x96: {  	_ =	swait.ge [sflag:s13], $0x4000  }
0x97: {  	[sflag:s13] =	ssyncset.done $0x0  }
0x98: {  	s23 =	sadd.s32 $0x500, s0;
	s24 =	simm.s32 $0xDC00;
	[sflag:s13] =	ssyncadd.s32 $0xFFFFC000  }
0x99: {  	[tilespmem:s6], [sflag:$0x4] =	stream.indirect.gather [hbm4b:s1+s28], $0x80, s23, s28, $0xb8;
	[tilespmem:$0x1DC00] =	vst v63  }
0x9a: {  	s8 =	simm.s32 $0x11C00  }
0x9b: {  	[hbm4b:s22+s4] =	stream.linear.scatter [tilespmem:s8], [sflag:$0xC], $0x4000, $0x38;
	[tilespmem:$0x1DC00] =	vst v63  }
0x9c: {  	_ =	swait.ge [sflag:s14], $0x4000  }
0x9d: {  	[sflag:s14] =	ssyncset.done $0x0  }
0x9e: {  	[sflag:s14] =	ssyncadd.s32 $0xFFFFC000  }
0x9f: {  	_ =	swait.ge [sflag:s15], $0x4000  }
0xa0: {  	[sflag:s15] =	ssyncset.done $0x0  }
0xa1: {  	s23 =	sadd.s32 $0x580, s0;
	s6 =	simm.s32 $0x11C00;
	[sflag:s15] =	ssyncadd.s32 $0xFFFFC000  }
0xa2: {  	[tilespmem:s8], [sflag:$0x5] =	stream.indirect.gather [hbm4b:s1+s28], $0x80, s23, s28, $0xb8;
	[tilespmem:$0x1DC00] =	vst v63  }
0xa3: {  	s9 =	simm.s32 $0x15C00  }
0xa4: {  	[hbm4b:s29+s4] =	stream.linear.scatter [tilespmem:s9], [sflag:$0xD], $0x4000, $0x38;
	[tilespmem:$0x1DC00] =	vst v63  }
0xa5: {  	_ =	swait.ge [sflag:s7], $0x4000  }
0xa6: {  	[sflag:s7] =	ssyncset.done $0x0  }
0xa7: {  	[sflag:s7] =	ssyncadd.s32 $0xFFFFC000  }
0xa8: {  	_ =	swait.ge [sflag:s26], $0x4000  }
0xa9: {  	[sflag:s26] =	ssyncset.done $0x0  }
0xaa: {  	s23 =	sadd.s32 $0x600, s0;
	s8 =	simm.s32 $0x15C00;
	[sflag:s26] =	ssyncadd.s32 $0xFFFFC000  }
0xab: {  	[tilespmem:s9], [sflag:$0x6] =	stream.indirect.gather [hbm4b:s1+s28], $0x80, s23, s28, $0xb8;
	[tilespmem:$0x1DC00] =	vst v63  }
0xac: {  	s10 =	simm.s32 $0x19C00;
	s9 =	simm.s32 $0x1  }
0xad: {  	[hbm4b:s3+s4] =	stream.linear.scatter [tilespmem:s10], [sflag:$0xE], $0x4000, $0x38;
	[tilespmem:$0x1DC00] =	vst v63  }
0xae: {  	_ =	swait.ge [sflag:s9], $0x4000  }
0xaf: {  	s20 =	sadd.s32 $0x380000, s20;
	s19 =	sadd.s32 $0x70000, s19;
	[sflag:s9] =	ssyncset.done $0x0  }
0xb0: {  	s21 =	sadd.s32 $0x70000, s21;
	s17 =	sadd.s32 $0x70000, s17;
	[sflag:s9] =	ssyncadd.s32 $0xFFFFC000  }
.Ltmp0:
0xb1: {  	s22 =	sadd.s32 $0x70000, s22;
	_ =	swait.ge [sflag:s16], $0x4000;
	(pc) =	sbr.rel @p0 .LBB2_2-.Ltmp0, $4  }
0xb2: {  	s0 =	sadd.s32 $0x680, s0;
	s29 =	sadd.s32 $0x70000, s29;
	[sflag:s16] =	ssyncset.done $0x0  }
0xb3: {  	s23 =	sshrl.u32 s30, $0x3;
	s9 =	simm.s32 $0x19C00;
	[sflag:s16] =	ssyncadd.s32 $0xFFFFC000  }
0xb4: {  	[tilespmem:s10], [sflag:$0x7] =	stream.indirect.gather [hbm4b:s1+s28], $0x80, s0, s28, $0xb8;
	[tilespmem:$0x1DC00] =	vst v63  }
0xb5: {  	s3 =	sadd.s32 $0x70000, s3;
	s0 =	sadd.s32 s25, s23;
	s23 =	smov.u32 s25  }
0xb6: {  	s3 =	simm.s32 $0x1C00;
	s25 =	simm.s32 $0x2  }
0xb7: {  	[hbm4b:s0+s4] =	stream.linear.scatter [tilespmem:s3], [sflag:$0x8], $0x4000, $0x38;
	[tilespmem:$0x1DC00] =	vst v63  }
0xb8: {  	_ =	swait.ge [sflag:s25], $0x4000  }
0xb9: {  	[sflag:s25] =	ssyncset.done $0x0  }
0xba: {  	s10 =	simm.s32 $0x8;
	[sflag:s25] =	ssyncadd.s32 $0xFFFFC000  }
0xbb: {  	_ =	swait.ge [sflag:s10], $0x4000  }
0xbc: {  	[sflag:s10] =	ssyncset.done $0x0  }
0xbd: {  	s29 =	simm.s32 $0x1880;
	[sflag:s10] =	ssyncadd.s32 $0xFFFFC000  }
0xbe: {  	[tilespmem:s3], [sflag:$0x1] =	stream.indirect.gather [hbm4b:s1+s28], $0x80, s29, s28, $0xb8;
	[tilespmem:$0x1DC00] =	vst v63  }
0xbf: {  	s17 =	simm.s32 $0x3;
	s30 =	rddreg [dreg:$0x7]  }
0xc0: {  	[hbm4b:s30+s4] =	stream.linear.scatter [tilespmem:s2], [sflag:$0x9], $0x4000, $0x38;
	[tilespmem:$0x1DC00] =	vst v63  }
0xc1: {  	_ =	swait.ge [sflag:s17], $0x4000  }
0xc2: {  	[sflag:s17] =	ssyncset.done $0x0  }
0xc3: {  	s18 =	rddreg [dreg:$0x8];
	[sflag:s17] =	ssyncadd.s32 $0xFFFFC000  }
0xc4: {  	[hbm4b:s18+s4] =	stream.linear.scatter [tilespmem:s31], [sflag:$0xA], $0x4000, $0x38;
	[tilespmem:$0x1DC00] =	vst v63  }
0xc5: {  	_ =	swait.ge [sflag:s11], $0x4000  }
0xc6: {  	[sflag:s11] =	ssyncset.done $0x0  }
0xc7: {  	s19 =	rddreg [dreg:$0x9];
	[sflag:s11] =	ssyncadd.s32 $0xFFFFC000  }
0xc8: {  	[hbm4b:s19+s4] =	stream.linear.scatter [tilespmem:s24], [sflag:$0xB], $0x4000, $0x38;
	[tilespmem:$0x1DC00] =	vst v63  }
0xc9: {  	_ =	swait.ge [sflag:s5], $0x4000  }
0xca: {  	[sflag:s5] =	ssyncset.done $0x0  }
0xcb: {  	s20 =	rddreg [dreg:$0xa];
	[sflag:s5] =	ssyncadd.s32 $0xFFFFC000  }
0xcc: {  	[hbm4b:s20+s4] =	stream.linear.scatter [tilespmem:s6], [sflag:$0xC], $0x4000, $0x38;
	[tilespmem:$0x1DC00] =	vst v63  }
0xcd: {  	_ =	swait.ge [sflag:s14], $0x4000  }
0xce: {  	[sflag:s14] =	ssyncset.done $0x0  }
0xcf: {  	s21 =	rddreg [dreg:$0xb];
	[sflag:s14] =	ssyncadd.s32 $0xFFFFC000  }
0xd0: {  	[hbm4b:s21+s4] =	stream.linear.scatter [tilespmem:s8], [sflag:$0xD], $0x4000, $0x38;
	[tilespmem:$0x1DC00] =	vst v63  }
0xd1: {  	_ =	swait.ge [sflag:s7], $0x4000  }
0xd2: {  	[sflag:s7] =	ssyncset.done $0x0  }
0xd3: {  	s24 =	simm.s32 $0x1;
	s22 =	rddreg [dreg:$0xc];
	[sflag:s7] =	ssyncadd.s32 $0xFFFFC000  }
0xd4: {  	[hbm4b:s22+s4] =	stream.linear.scatter [tilespmem:s9], [sflag:$0xE], $0x4000, $0x38;
	[tilespmem:$0x1DC00] =	vst v63  }
0xd5: {  	_ =	swait.ge [sflag:s24], $0x4000  }
0xd6: {  	[sflag:s24] =	ssyncset.done $0x0  }
0xd7: {  	s29 =	simm.s32 $0x9;
	s25 =	rddreg [dreg:$0xd];
	[sflag:s24] =	ssyncadd.s32 $0xFFFFC000  }
0xd8: {  	[hbm4b:s25+s4] =	stream.linear.scatter [tilespmem:s3], [sflag:$0x8], $0x4000, $0x38;
	[tilespmem:$0x1DC00] =	vst v63  }
0xd9: {  	_ =	swait.ge [sflag:s29], $0x4000  }
0xda: {  	[sflag:s29] =	ssyncset.done $0x0  }
0xdb: {  	[sflag:s29] =	ssyncadd.s32 $0xFFFFC000  }
0xdc: {  	_ =	swait.ge [sflag:s12], $0x4000  }
0xdd: {  	[sflag:s12] =	ssyncset.done $0x0  }
0xde: {  	[sflag:s12] =	ssyncadd.s32 $0xFFFFC000  }
0xdf: {  	_ =	swait.ge [sflag:s13], $0x4000  }
0xe0: {  	[sflag:s13] =	ssyncset.done $0x0  }
0xe1: {  	[sflag:s13] =	ssyncadd.s32 $0xFFFFC000  }
0xe2: {  	_ =	swait.ge [sflag:s15], $0x4000  }
0xe3: {  	[sflag:s15] =	ssyncset.done $0x0  }
0xe4: {  	[sflag:s15] =	ssyncadd.s32 $0xFFFFC000  }
0xe5: {  	_ =	swait.ge [sflag:s26], $0x4000  }
0xe6: {  	[sflag:s26] =	ssyncset.done $0x0  }
0xe7: {  	[sflag:s26] =	ssyncadd.s32 $0xFFFFC000  }
0xe8: {  	_ =	swait.ge [sflag:s16], $0x4000  }
0xe9: {  	[sflag:s16] =	ssyncset.done $0x0  }
0xea: {  	[sflag:s16] =	ssyncadd.s32 $0xFFFFC000  }
0xeb: {  	_ =	swait.ge [sflag:s10], $0x4000  }
0xec: {  	s30 =	rddreg [dreg:$0x16]  }
0xed: {  	s31 =	rddreg [dreg:$0xe];
	s2 =	sadd.s32 $0x1, s30  }
0xee: {  	p0 =	sne.s32 s2, s31  }
.Ltmp1:
0xef: {  	_ = 	snop;
	(pc) =	sbr.rel @p0 .LBB2_1-.Ltmp1, $3  }
0xf0: {  	_ =	sdelay $0x1  }
0xf1: {  	[sflag:s10] =	ssyncset.done $0x0  }
0xf2: {  	[sflag:s10] =	ssyncadd.s32 $0xFFFFC000  }
0xf3: {  	_ =	sfence.sel $0x180000  }
0xf4: {  	[bflag:$0x0] =	sbarrier.arrive $0xFFFF  }
0xf5: {  	_ =	strace $0x90000047  }
0xf6: {  	s0 =	stileid.u32;
	[bflag:$0x2] =	sbarrier.arrive $0xFFFF  }
0xf7: {  	p0 =	sne.s32 s0, $0x0;
	s0 =	rddreg [dreg:$0x3]  }
0xf8: {  	s0 =	sadd.s32 @!p0 $0x100000, s0  }
0xf9: {  	[sflag:s0] =	ssyncadd.tile.s32 @!p0 $0x1;
	_ =	shalt  }
.Lfunc_end2:
_tile_overlayer_lowered:
.L_overlay_start_2:
0xfa: {  	(tag) =	ssettag $0x2  }
0xfb: {  	s0 =	rddreg [dreg:$0x0];
	s2 =	stileid.u32  }
0xfc: {  	s1 =	rddreg [dreg:$0x1];
	p0 =	sne.s32 s2, $0x0  }
0xfd: {  	s3 =	rddreg [dreg:$0x2];
	[bflag:$0x3] =	sbarrier.arrive $0xFFFF;
	s2 =	simm.s32 @!p0 $0x1C0F  }
0xfe: {  	[timem:s3], [sflag:s2] =	dma.local @!p0 [hbm:s0], s1  }
0xff: {  	s0 =	simm.s32 @!p0 $0xF  }
0x100: {  	_ =	swait.ge @!p0 [sflag:s0], s1  }
0x101: {  	s1 =	ssub.s32 @!p0 $0x0, s1;
	[sflag:s0] =	ssyncset.done @!p0 $0x0  }
0x102: {  	[sflag:s0] =	ssyncadd.s32 @!p0 s1  }
0x103: {  	[bflag:$0x3] =	sbarrier.arrive $0xFFFF  }
0x104: {  	_ =	shalt  }

</sc_bundles>
